<compile_context>
chip_gen: v7x
topology: tpu7x:2x2x1
jax: 0.10.2.dev20260603
libtpu: 0.0.44.dev20260713+nightly
codegen_flags: <defaults>
</compile_context>

<pallas_src>
import functools

import jax
import jax.numpy as jnp
import numpy as np
from jax import lax
from jax.experimental import pallas as pl
from jax.experimental.pallas import tpu as pltpu
from jax.experimental.pallas import tpu_sc as plsc

_P = 0.5


def _plan_indices(seq_len: int) -> np.ndarray:
    rng = np.random.default_rng(0)
    pa = rng.uniform(0.0, 1.0, size=6)
    idx_list = []
    L = seq_len
    if pa[0] < _P:
        start = int(rng.uniform(0.0, L * 0.1))
        idx = np.arange(start, L, dtype=np.int64)
        idx_list.append(idx)
        L = idx.shape[0]
    if pa[1] < _P:
        end = int(rng.uniform(0.0, L * 0.1))
        idx = np.arange(0, L - end, dtype=np.int64)
        idx_list.append(idx)
        L = idx.shape[0]
    if pa[2] < _P:
        delta = float(np.float16(rng.uniform(0.8, 1.2)))
        idx = np.floor(np.arange(0.0, L, delta)).astype(np.int64)
        idx = np.clip(idx, 0, L - 1)
        idx_list.append(idx)
        L = idx.shape[0]
    if pa[3] < _P:
        margin = int(0.1 * L)
        center = int(rng.uniform(margin, L - margin))
        delta = float(np.float16(rng.uniform(0.5, 1.5)))
        mid = np.arange(center - margin, center + margin, delta).astype(np.int64)
        mid = np.clip(mid, 0, L - 1)
        idx = np.concatenate([
            np.arange(0, center - margin, dtype=np.int64),
            mid,
            np.arange(center + margin, L, dtype=np.int64),
        ])
        idx_list.append(idx)
        L = idx.shape[0]
    if pa[4] < _P:
        margin = int(0.1 * L)
        center = int(rng.uniform(margin, L - margin))
        mid = rng.permutation(np.arange(center - margin, center + margin, dtype=np.int64))
        idx = np.concatenate([
            np.arange(0, center - margin, dtype=np.int64),
            mid,
            np.arange(center + margin, L, dtype=np.int64),
        ])
        idx_list.append(idx)
        L = idx.shape[0]
    if pa[4] < _P:
        margin = int(0.1 * L)
        center = int(rng.uniform(margin, L - margin))
        idx = np.concatenate([
            np.arange(0, center - margin, dtype=np.int64),
            np.arange(center - margin, center + margin, dtype=np.int64)[::-1],
            np.arange(center + margin, L, dtype=np.int64),
        ])
        idx_list.append(idx)
        L = idx.shape[0]
    final = idx_list[0]
    for idx in idx_list[1:]:
        final = final[idx]
    return final.astype(np.int32)


_SEQ_LEN = 4096
_FEAT = 512
_IDX_NP = _plan_indices(_SEQ_LEN)
_OUT_LEN = int(_IDX_NP.shape[0])

_NUM_WORKERS = 32
_ROWS_PER_WORKER = -(-_OUT_LEN // (8 * _NUM_WORKERS)) * 8
assert _ROWS_PER_WORKER <= 128
_LAST_BASE = _OUT_LEN - _ROWS_PER_WORKER
assert _LAST_BASE % 8 == 0 and _OUT_LEN % 8 == 0

_CHUNK_OFFS = (0, _ROWS_PER_WORKER)
_N_CHUNKS = len(_CHUNK_OFFS) - 1
assert all(o % 8 == 0 for o in _CHUNK_OFFS)

_LANES = 16
_GEN_LEN = -(-_ROWS_PER_WORKER // _LANES) * _LANES


def _formula_params():
    rng = np.random.default_rng(0)
    pa = rng.uniform(0.0, 1.0, size=6)
    assert pa[0] >= _P and pa[1] < _P and pa[2] < _P and pa[3] < _P and pa[4] >= _P
    L = _SEQ_LEN
    end = int(rng.uniform(0.0, L * 0.1))
    L1 = L - end
    delta1 = float(np.float16(rng.uniform(0.8, 1.2)))
    L2 = len(np.arange(0.0, L1, delta1))
    margin = int(0.1 * L2)
    center = int(rng.uniform(margin, L2 - margin))
    delta3 = float(np.float16(rng.uniform(0.5, 1.5)))
    midlen = len(np.arange(center - margin, center + margin, delta3))
    p1 = center - margin
    shift = 2 * margin - midlen
    return dict(L1=L1, L2=L2, delta1=delta1, delta3=delta3,
                p1=p1, midlen=midlen, shift=shift)


_FP = _formula_params()


def _simulate_f32(j):
    f32 = np.float32
    jf = j.astype(f32)
    mid = (jf - f32(_FP["p1"])) * f32(_FP["delta3"]) + f32(_FP["p1"])
    v_mid = np.minimum(mid.astype(np.int32), _FP["L2"] - 1)
    v = np.where(j < _FP["p1"], j,
                 np.where(j < _FP["p1"] + _FP["midlen"], v_mid,
                          j + _FP["shift"]))
    return np.minimum((v.astype(f32) * f32(_FP["delta1"])).astype(np.int32),
                      _FP["L1"] - 1)


_ALL_J = np.arange(0, _OUT_LEN + (_GEN_LEN - _ROWS_PER_WORKER), dtype=np.int32)
_SIM = _simulate_f32(_ALL_J)
assert np.array_equal(_SIM[:_OUT_LEN], _IDX_NP)
assert _SIM.min() >= 0 and _SIM.max() < _SEQ_LEN


def _gen_indices(idx_v, base):
    f32, s32 = jnp.float32, jnp.int32
    for t in range(_GEN_LEN // _LANES):
        j = lax.iota(s32, _LANES) + (base + t * _LANES)
        jf = j.astype(f32)
        mid = (jf - f32(_FP["p1"])) * f32(_FP["delta3"]) + f32(_FP["p1"])
        v_mid = jnp.minimum(mid.astype(s32), _FP["L2"] - 1)
        v = jnp.where(j < _FP["p1"], j,
                      jnp.where(j < _FP["p1"] + _FP["midlen"], v_mid,
                                j + _FP["shift"]))
        fin = jnp.minimum((v.astype(f32) * f32(_FP["delta1"])).astype(s32),
                          _FP["L1"] - 1)
        idx_v[pl.ds(t * _LANES, _LANES)] = fin


def _sc_gather(a_hbm, b_hbm, out_hbm, idx_v, rows_a, rows_b, gsems, wsems):
    info = plsc.get_sparse_core_info()
    wid = lax.axis_index("s") * info.num_cores + lax.axis_index("c")
    base = jnp.where(wid == _NUM_WORKERS - 1, _LAST_BASE,
                     wid * _ROWS_PER_WORKER)
    _gen_indices(idx_v, base)
    gathers = []
    for c in range(_N_CHUNKS):
        off, n = _CHUNK_OFFS[c], _CHUNK_OFFS[c + 1] - _CHUNK_OFFS[c]
        sl = pl.ds(off, n)
        for j, (src, buf) in enumerate(((a_hbm, rows_a), (b_hbm, rows_b))):
            cp = pltpu.async_copy(src.at[idx_v.at[sl]], buf.at[sl],
                                  gsems.at[c * 2 + j])
            gathers.append((cp, buf, off, n, j))
    writes = []
    for k, (cp, buf, off, n, j) in enumerate(gathers):
        cp.wait()
        writes.append(pltpu.async_copy(buf.at[pl.ds(off, n)],
                                       out_hbm.at[pl.ds(base + off + j * _OUT_LEN, n)],
                                       wsems.at[k]))
    for w in writes:
        w.wait()


@jax.jit
def kernel(seq_a, seq_b):
    mesh = plsc.VectorSubcoreMesh(core_axis_name="c", subcore_axis_name="s")
    out = pl.kernel(
        _sc_gather,
        mesh=mesh,
        out_type=jax.ShapeDtypeStruct((2 * _OUT_LEN, _FEAT), jnp.float32),
        scratch_types=[
            pltpu.VMEM((_GEN_LEN,), jnp.int32),
            pltpu.VMEM((_ROWS_PER_WORKER, _FEAT), jnp.float32),
            pltpu.VMEM((_ROWS_PER_WORKER, _FEAT), jnp.float32),
            pltpu.SemaphoreType.DMA((_N_CHUNKS * 2,)),
            pltpu.SemaphoreType.DMA((_N_CHUNKS * 2,)),
        ],
    )(seq_a, seq_b)
    return out.reshape(2, _OUT_LEN, _FEAT)

# --- scband reference (transcript-rebuilt; emitter-appended) ---
"""Pipeline reference for scband-sequence-level-augmentation-layer-14525579395547 (READ-ONLY COPY).

The authoritative reference and input builder live on the scoring server;
editing this copy changes nothing except your own understanding.
"""

import jax, jax.numpy as jnp
import numpy as np

_P = 0.5


def _make_plan(seq_len, p=_P):
    """Deterministically reproduce the chain of index-gather augmentations.

    Mirrors the TF layer's training-time __call__: draw 6 gating uniforms,
    then for each triggered op draw its parameters and build the int index
    vector that tf.gather would use. All randomness is host-side (the TF code
    also casts random draws to Python int/float), so shapes are static.
    """
    rng = np.random.default_rng(0)
    pa = rng.uniform(0.0, 1.0, size=6)
    idx_list = []
    L = seq_len
    # _cut_seq_beginning
    if pa[0] < p:
        start = int(rng.uniform(0.0, L * 0.1))
        idx = np.arange(start, L, dtype=np.int64)
        idx_list.append(idx)
        L = idx.shape[0]
    # _cut_seq_ending
    if pa[1] < p:
        end = int(rng.uniform(0.0, L * 0.1))
        idx = np.arange(0, L - end, dtype=np.int64)
        idx_list.append(idx)
        L = idx.shape[0]
    # _down_up_sampling_sequence
    if pa[2] < p:
        delta = float(np.float16(rng.uniform(0.8, 1.2)))
        idx = np.floor(np.arange(0.0, L, delta)).astype(np.int64)
        idx = np.clip(idx, 0, L - 1)
        idx_list.append(idx)
        L = idx.shape[0]
    # _down_up_sampling_seq_middle
    if pa[3] < p:
        margin = int(0.1 * L)
        center = int(rng.uniform(margin, L - margin))
        delta = float(np.float16(rng.uniform(0.5, 1.5)))
        mid = np.arange(center - margin, center + margin, delta).astype(np.int64)
        mid = np.clip(mid, 0, L - 1)
        idx = np.concatenate([
            np.arange(0, center - margin, dtype=np.int64),
            mid,
            np.arange(center + margin, L, dtype=np.int64),
        ])
        idx_list.append(idx)
        L = idx.shape[0]
    # _random_shuffle (gated by pa[4], as in the original code)
    if pa[4] < p:
        margin = int(0.1 * L)
        center = int(rng.uniform(margin, L - margin))
        mid = rng.permutation(np.arange(center - margin, center + margin, dtype=np.int64))
        idx = np.concatenate([
            np.arange(0, center - margin, dtype=np.int64),
            mid,
            np.arange(center + margin, L, dtype=np.int64),
        ])
        idx_list.append(idx)
        L = idx.shape[0]
    # _random_reverse (also gated by pa[4] -- faithful to the original bug)
    if pa[4] < p:
        margin = int(0.1 * L)
        center = int(rng.uniform(margin, L - margin))
        idx = np.concatenate([
            np.arange(0, center - margin, dtype=np.int64),
            np.arange(center - margin, center + margin, dtype=np.int64)[::-1],
            np.arange(center + margin, L, dtype=np.int64),
        ])
        idx_list.append(idx)
        L = idx.shape[0]
    return idx_list


def setup_inputs(seed: int = 0) -> dict:
    key = jax.random.key(seed)
    k1, k2 = jax.random.split(key)
    seq_a = jax.random.normal(k1, (4096, 512), dtype=jnp.float32)
    seq_b = jax.random.normal(k2, (4096, 512), dtype=jnp.float32)
    return {"seq_a": seq_a, "seq_b": seq_b}


def reference(seq_a, seq_b):
    idx_list = _make_plan(seq_a.shape[0])
    a, b = seq_a, seq_b
    for idx in idx_list:
        ii = jnp.asarray(idx)
        a = jnp.take(a, ii, axis=0)
        b = jnp.take(b, ii, axis=0)
    return jnp.stack([a, b], axis=0)

if __name__ == "__main__":
    import jax
    _d = setup_inputs()
    print(jax.jit(kernel)(*tuple(_d.values())))

</pallas_src>

<mosaic_0001>
#map = affine_map<(d0, d1) -> (0, 0)>
module attributes {stable_mosaic.version = 14 : i64} {
  func.func @_sc_gather(%arg0: i32, %arg1: i32, %arg2: memref<4096x512xf32, #tpu.memory_space<hbm>>, %arg3: memref<4096x512xf32, #tpu.memory_space<hbm>>, %arg4: memref<6624x512xf32, #tpu.memory_space<hbm>>, %arg5: memref<112xi32, #tpu.memory_space<vmem>>, %arg6: memref<104x512xf32, #tpu.memory_space<vmem>>, %arg7: memref<104x512xf32, #tpu.memory_space<vmem>>, %arg8: memref<2x!tpu.dma_semaphore, #tpu.memory_space<semaphore_mem>>, %arg9: memref<2x!tpu.dma_semaphore, #tpu.memory_space<semaphore_mem>>) attributes {dimension_semantics = [#tpu.dimension_semantics<core_parallel>, #tpu.dimension_semantics<subcore_parallel>], iteration_bounds = array<i64: 2, 16>, scalar_prefetch = 0 : i64, scratch_operands = 5 : i64, tpu.core_type = #tpu.core_type<sc_vector_subcore>, window_params = [{transform_indices = #map}, {transform_indices = #map}, {transform_indices = #map}]} {
    %mul3A = arith.constant 2 : i32
    %mul3A_0 = arith.muli %arg1, %mul3A : i32
    %add3A = arith.addi %mul3A_0, %arg0 : i32
    %eq3A = arith.constant 31 : i32
    %eq3A_1 = arith.cmpi eq, %add3A, %eq3A : i32
    %mul3A_2 = arith.constant 104 : i32
    %mul3A_3 = arith.muli %add3A, %mul3A_2 : i32
    %jit3A = arith.constant 3208 : i32
    %select_n3A = arith.select %eq3A_1, %jit3A, %mul3A_3 : i32
    %iota3A = tpu.iota {dimensions = array<i32: 0>} : vector<16xi32>
    %add3A_4 = arith.constant 0 : i32
    %add3A_5 = arith.addi %select_n3A, %add3A_4 : i32
    %add3A_6 = vector.broadcast %add3A_5 : i32 to vector<16xi32>
    %add3A_7 = arith.addi %iota3A, %add3A_6 : vector<16xi32>
    %convert_element_type3A = arith.sitofp %add3A_7 : vector<16xi32> to vector<16xf32>
    %sub3A = arith.constant 1.533000e+03 : f32
    %sub3A_8 = vector.broadcast %sub3A : f32 to vector<16xf32>
    %sub3A_9 = arith.subf %convert_element_type3A, %sub3A_8 : vector<16xf32>
    %mul3A_10 = arith.constant 1.43554688 : f32
    %mul3A_11 = vector.broadcast %mul3A_10 : f32 to vector<16xf32>
    %mul3A_12 = arith.mulf %sub3A_9, %mul3A_11 : vector<16xf32>
    %add3A_13 = arith.constant 1.533000e+03 : f32
    %add3A_14 = vector.broadcast %add3A_13 : f32 to vector<16xf32>
    %add3A_15 = arith.addf %mul3A_12, %add3A_14 : vector<16xf32>
    %convert_element_type3A_16 = arith.fptosi %add3A_15 : vector<16xf32> to vector<16xi32>
    %min3A = arith.constant 3524 : i32
    %min3A_17 = vector.broadcast %min3A : i32 to vector<16xi32>
    %min3A_18 = arith.minsi %convert_element_type3A_16, %min3A_17 : vector<16xi32>
    %lt3A = arith.constant 1533 : i32
    %lt3A_19 = vector.broadcast %lt3A : i32 to vector<16xi32>
    %lt3A_20 = arith.cmpi slt, %add3A_7, %lt3A_19 : vector<16xi32>
    %lt3A_21 = arith.constant 2024 : i32
    %lt3A_22 = vector.broadcast %lt3A_21 : i32 to vector<16xi32>
    %lt3A_23 = arith.cmpi slt, %add3A_7, %lt3A_22 : vector<16xi32>
    %add3A_24 = arith.constant 213 : i32
    %add3A_25 = vector.broadcast %add3A_24 : i32 to vector<16xi32>
    %add3A_26 = arith.addi %add3A_7, %add3A_25 : vector<16xi32>
    %select_n3A_27 = arith.select %lt3A_23, %min3A_18, %add3A_26 : vector<16xi1>, vector<16xi32>
    %select_n3A_28 = arith.select %lt3A_20, %add3A_7, %select_n3A_27 : vector<16xi1>, vector<16xi32>
    %convert_element_type3A_29 = arith.sitofp %select_n3A_28 : vector<16xi32> to vector<16xf32>
    %mul3A_30 = arith.constant 1.09179688 : f32
    %mul3A_31 = vector.broadcast %mul3A_30 : f32 to vector<16xf32>
    %mul3A_32 = arith.mulf %convert_element_type3A_29, %mul3A_31 : vector<16xf32>
    %convert_element_type3A_33 = arith.fptosi %mul3A_32 : vector<16xf32> to vector<16xi32>
    %min3A_34 = arith.constant 3847 : i32
    %min3A_35 = vector.broadcast %min3A_34 : i32 to vector<16xi32>
    %min3A_36 = arith.minsi %convert_element_type3A_33, %min3A_35 : vector<16xi32>
    %swap3A = arith.constant 0 : index
    %swap3A_37 = tpu.vector_load %arg5[%swap3A] {strides = array<i32>} : memref<112xi32, #tpu.memory_space<vmem>>, vector<16xi32>,
    %swap3A_38 = vector.shape_cast %swap3A_37 : vector<16xi32> to vector<16xi32>
    %swap3A_39 = vector.shape_cast %min3A_36 : vector<16xi32> to vector<16xi32>
    tpu.vector_store %arg5[%swap3A], %swap3A_39 {strides = array<i32>} : memref<112xi32, #tpu.memory_space<vmem>>, vector<16xi32>,
    %iota3A_40 = tpu.iota {dimensions = array<i32: 0>} : vector<16xi32>
    %add3A_41 = arith.constant 16 : i32
    %add3A_42 = arith.addi %select_n3A, %add3A_41 : i32
    %add3A_43 = vector.broadcast %add3A_42 : i32 to vector<16xi32>
    %add3A_44 = arith.addi %iota3A_40, %add3A_43 : vector<16xi32>
    %convert_element_type3A_45 = arith.sitofp %add3A_44 : vector<16xi32> to vector<16xf32>
    %sub3A_46 = arith.constant 1.533000e+03 : f32
    %sub3A_47 = vector.broadcast %sub3A_46 : f32 to vector<16xf32>
    %sub3A_48 = arith.subf %convert_element_type3A_45, %sub3A_47 : vector<16xf32>
    %mul3A_49 = arith.constant 1.43554688 : f32
    %mul3A_50 = vector.broadcast %mul3A_49 : f32 to vector<16xf32>
    %mul3A_51 = arith.mulf %sub3A_48, %mul3A_50 : vector<16xf32>
    %add3A_52 = arith.constant 1.533000e+03 : f32
    %add3A_53 = vector.broadcast %add3A_52 : f32 to vector<16xf32>
    %add3A_54 = arith.addf %mul3A_51, %add3A_53 : vector<16xf32>
    %convert_element_type3A_55 = arith.fptosi %add3A_54 : vector<16xf32> to vector<16xi32>
    %min3A_56 = arith.constant 3524 : i32
    %min3A_57 = vector.broadcast %min3A_56 : i32 to vector<16xi32>
    %min3A_58 = arith.minsi %convert_element_type3A_55, %min3A_57 : vector<16xi32>
    %lt3A_59 = arith.constant 1533 : i32
    %lt3A_60 = vector.broadcast %lt3A_59 : i32 to vector<16xi32>
    %lt3A_61 = arith.cmpi slt, %add3A_44, %lt3A_60 : vector<16xi32>
    %lt3A_62 = arith.constant 2024 : i32
    %lt3A_63 = vector.broadcast %lt3A_62 : i32 to vector<16xi32>
    %lt3A_64 = arith.cmpi slt, %add3A_44, %lt3A_63 : vector<16xi32>
    %add3A_65 = arith.constant 213 : i32
    %add3A_66 = vector.broadcast %add3A_65 : i32 to vector<16xi32>
    %add3A_67 = arith.addi %add3A_44, %add3A_66 : vector<16xi32>
    %select_n3A_68 = arith.select %lt3A_64, %min3A_58, %add3A_67 : vector<16xi1>, vector<16xi32>
    %select_n3A_69 = arith.select %lt3A_61, %add3A_44, %select_n3A_68 : vector<16xi1>, vector<16xi32>
    %convert_element_type3A_70 = arith.sitofp %select_n3A_69 : vector<16xi32> to vector<16xf32>
    %mul3A_71 = arith.constant 1.09179688 : f32
    %mul3A_72 = vector.broadcast %mul3A_71 : f32 to vector<16xf32>
    %mul3A_73 = arith.mulf %convert_element_type3A_70, %mul3A_72 : vector<16xf32>
    %convert_element_type3A_74 = arith.fptosi %mul3A_73 : vector<16xf32> to vector<16xi32>
    %min3A_75 = arith.constant 3847 : i32
    %min3A_76 = vector.broadcast %min3A_75 : i32 to vector<16xi32>
    %min3A_77 = arith.minsi %convert_element_type3A_74, %min3A_76 : vector<16xi32>
    %swap3A_78 = arith.constant 16 : index
    %swap3A_79 = tpu.vector_load %arg5[%swap3A_78] {strides = array<i32>} : memref<112xi32, #tpu.memory_space<vmem>>, vector<16xi32>,
    %swap3A_80 = vector.shape_cast %swap3A_79 : vector<16xi32> to vector<16xi32>
    %swap3A_81 = vector.shape_cast %min3A_77 : vector<16xi32> to vector<16xi32>
    tpu.vector_store %arg5[%swap3A_78], %swap3A_81 {strides = array<i32>} : memref<112xi32, #tpu.memory_space<vmem>>, vector<16xi32>,
    %iota3A_82 = tpu.iota {dimensions = array<i32: 0>} : vector<16xi32>
    %add3A_83 = arith.constant 32 : i32
    %add3A_84 = arith.addi %select_n3A, %add3A_83 : i32
    %add3A_85 = vector.broadcast %add3A_84 : i32 to vector<16xi32>
    %add3A_86 = arith.addi %iota3A_82, %add3A_85 : vector<16xi32>
    %convert_element_type3A_87 = arith.sitofp %add3A_86 : vector<16xi32> to vector<16xf32>
    %sub3A_88 = arith.constant 1.533000e+03 : f32
    %sub3A_89 = vector.broadcast %sub3A_88 : f32 to vector<16xf32>
    %sub3A_90 = arith.subf %convert_element_type3A_87, %sub3A_89 : vector<16xf32>
    %mul3A_91 = arith.constant 1.43554688 : f32
    %mul3A_92 = vector.broadcast %mul3A_91 : f32 to vector<16xf32>
    %mul3A_93 = arith.mulf %sub3A_90, %mul3A_92 : vector<16xf32>
    %add3A_94 = arith.constant 1.533000e+03 : f32
    %add3A_95 = vector.broadcast %add3A_94 : f32 to vector<16xf32>
    %add3A_96 = arith.addf %mul3A_93, %add3A_95 : vector<16xf32>
    %convert_element_type3A_97 = arith.fptosi %add3A_96 : vector<16xf32> to vector<16xi32>
    %min3A_98 = arith.constant 3524 : i32
    %min3A_99 = vector.broadcast %min3A_98 : i32 to vector<16xi32>
    %min3A_100 = arith.minsi %convert_element_type3A_97, %min3A_99 : vector<16xi32>
    %lt3A_101 = arith.constant 1533 : i32
    %lt3A_102 = vector.broadcast %lt3A_101 : i32 to vector<16xi32>
    %lt3A_103 = arith.cmpi slt, %add3A_86, %lt3A_102 : vector<16xi32>
    %lt3A_104 = arith.constant 2024 : i32
    %lt3A_105 = vector.broadcast %lt3A_104 : i32 to vector<16xi32>
    %lt3A_106 = arith.cmpi slt, %add3A_86, %lt3A_105 : vector<16xi32>
    %add3A_107 = arith.constant 213 : i32
    %add3A_108 = vector.broadcast %add3A_107 : i32 to vector<16xi32>
    %add3A_109 = arith.addi %add3A_86, %add3A_108 : vector<16xi32>
    %select_n3A_110 = arith.select %lt3A_106, %min3A_100, %add3A_109 : vector<16xi1>, vector<16xi32>
    %select_n3A_111 = arith.select %lt3A_103, %add3A_86, %select_n3A_110 : vector<16xi1>, vector<16xi32>
    %convert_element_type3A_112 = arith.sitofp %select_n3A_111 : vector<16xi32> to vector<16xf32>
    %mul3A_113 = arith.constant 1.09179688 : f32
    %mul3A_114 = vector.broadcast %mul3A_113 : f32 to vector<16xf32>
    %mul3A_115 = arith.mulf %convert_element_type3A_112, %mul3A_114 : vector<16xf32>
    %convert_element_type3A_116 = arith.fptosi %mul3A_115 : vector<16xf32> to vector<16xi32>
    %min3A_117 = arith.constant 3847 : i32
    %min3A_118 = vector.broadcast %min3A_117 : i32 to vector<16xi32>
    %min3A_119 = arith.minsi %convert_element_type3A_116, %min3A_118 : vector<16xi32>
    %swap3A_120 = arith.constant 32 : index
    %swap3A_121 = tpu.vector_load %arg5[%swap3A_120] {strides = array<i32>} : memref<112xi32, #tpu.memory_space<vmem>>, vector<16xi32>,
    %swap3A_122 = vector.shape_cast %swap3A_121 : vector<16xi32> to vector<16xi32>
    %swap3A_123 = vector.shape_cast %min3A_119 : vector<16xi32> to vector<16xi32>
    tpu.vector_store %arg5[%swap3A_120], %swap3A_123 {strides = array<i32>} : memref<112xi32, #tpu.memory_space<vmem>>, vector<16xi32>,
    %iota3A_124 = tpu.iota {dimensions = array<i32: 0>} : vector<16xi32>
    %add3A_125 = arith.constant 48 : i32
    %add3A_126 = arith.addi %select_n3A, %add3A_125 : i32
    %add3A_127 = vector.broadcast %add3A_126 : i32 to vector<16xi32>
    %add3A_128 = arith.addi %iota3A_124, %add3A_127 : vector<16xi32>
    %convert_element_type3A_129 = arith.sitofp %add3A_128 : vector<16xi32> to vector<16xf32>
    %sub3A_130 = arith.constant 1.533000e+03 : f32
    %sub3A_131 = vector.broadcast %sub3A_130 : f32 to vector<16xf32>
    %sub3A_132 = arith.subf %convert_element_type3A_129, %sub3A_131 : vector<16xf32>
    %mul3A_133 = arith.constant 1.43554688 : f32
    %mul3A_134 = vector.broadcast %mul3A_133 : f32 to vector<16xf32>
    %mul3A_135 = arith.mulf %sub3A_132, %mul3A_134 : vector<16xf32>
    %add3A_136 = arith.constant 1.533000e+03 : f32
    %add3A_137 = vector.broadcast %add3A_136 : f32 to vector<16xf32>
    %add3A_138 = arith.addf %mul3A_135, %add3A_137 : vector<16xf32>
    %convert_element_type3A_139 = arith.fptosi %add3A_138 : vector<16xf32> to vector<16xi32>
    %min3A_140 = arith.constant 3524 : i32
    %min3A_141 = vector.broadcast %min3A_140 : i32 to vector<16xi32>
    %min3A_142 = arith.minsi %convert_element_type3A_139, %min3A_141 : vector<16xi32>
    %lt3A_143 = arith.constant 1533 : i32
    %lt3A_144 = vector.broadcast %lt3A_143 : i32 to vector<16xi32>
    %lt3A_145 = arith.cmpi slt, %add3A_128, %lt3A_144 : vector<16xi32>
    %lt3A_146 = arith.constant 2024 : i32
    %lt3A_147 = vector.broadcast %lt3A_146 : i32 to vector<16xi32>
    %lt3A_148 = arith.cmpi slt, %add3A_128, %lt3A_147 : vector<16xi32>
    %add3A_149 = arith.constant 213 : i32
    %add3A_150 = vector.broadcast %add3A_149 : i32 to vector<16xi32>
    %add3A_151 = arith.addi %add3A_128, %add3A_150 : vector<16xi32>
    %select_n3A_152 = arith.select %lt3A_148, %min3A_142, %add3A_151 : vector<16xi1>, vector<16xi32>
    %select_n3A_153 = arith.select %lt3A_145, %add3A_128, %select_n3A_152 : vector<16xi1>, vector<16xi32>
    %convert_element_type3A_154 = arith.sitofp %select_n3A_153 : vector<16xi32> to vector<16xf32>
    %mul3A_155 = arith.constant 1.09179688 : f32
    %mul3A_156 = vector.broadcast %mul3A_155 : f32 to vector<16xf32>
    %mul3A_157 = arith.mulf %convert_element_type3A_154, %mul3A_156 : vector<16xf32>
    %convert_element_type3A_158 = arith.fptosi %mul3A_157 : vector<16xf32> to vector<16xi32>
    %min3A_159 = arith.constant 3847 : i32
    %min3A_160 = vector.broadcast %min3A_159 : i32 to vector<16xi32>
    %min3A_161 = arith.minsi %convert_element_type3A_158, %min3A_160 : vector<16xi32>
    %swap3A_162 = arith.constant 48 : index
    %swap3A_163 = tpu.vector_load %arg5[%swap3A_162] {strides = array<i32>} : memref<112xi32, #tpu.memory_space<vmem>>, vector<16xi32>,
    %swap3A_164 = vector.shape_cast %swap3A_163 : vector<16xi32> to vector<16xi32>
    %swap3A_165 = vector.shape_cast %min3A_161 : vector<16xi32> to vector<16xi32>
    tpu.vector_store %arg5[%swap3A_162], %swap3A_165 {strides = array<i32>} : memref<112xi32, #tpu.memory_space<vmem>>, vector<16xi32>,
    %iota3A_166 = tpu.iota {dimensions = array<i32: 0>} : vector<16xi32>
    %add3A_167 = arith.constant 64 : i32
    %add3A_168 = arith.addi %select_n3A, %add3A_167 : i32
    %add3A_169 = vector.broadcast %add3A_168 : i32 to vector<16xi32>
    %add3A_170 = arith.addi %iota3A_166, %add3A_169 : vector<16xi32>
    %convert_element_type3A_171 = arith.sitofp %add3A_170 : vector<16xi32> to vector<16xf32>
    %sub3A_172 = arith.constant 1.533000e+03 : f32
    %sub3A_173 = vector.broadcast %sub3A_172 : f32 to vector<16xf32>
    %sub3A_174 = arith.subf %convert_element_type3A_171, %sub3A_173 : vector<16xf32>
    %mul3A_175 = arith.constant 1.43554688 : f32
    %mul3A_176 = vector.broadcast %mul3A_175 : f32 to vector<16xf32>
    %mul3A_177 = arith.mulf %sub3A_174, %mul3A_176 : vector<16xf32>
    %add3A_178 = arith.constant 1.533000e+03 : f32
    %add3A_179 = vector.broadcast %add3A_178 : f32 to vector<16xf32>
    %add3A_180 = arith.addf %mul3A_177, %add3A_179 : vector<16xf32>
    %convert_element_type3A_181 = arith.fptosi %add3A_180 : vector<16xf32> to vector<16xi32>
    %min3A_182 = arith.constant 3524 : i32
    %min3A_183 = vector.broadcast %min3A_182 : i32 to vector<16xi32>
    %min3A_184 = arith.minsi %convert_element_type3A_181, %min3A_183 : vector<16xi32>
    %lt3A_185 = arith.constant 1533 : i32
    %lt3A_186 = vector.broadcast %lt3A_185 : i32 to vector<16xi32>
    %lt3A_187 = arith.cmpi slt, %add3A_170, %lt3A_186 : vector<16xi32>
    %lt3A_188 = arith.constant 2024 : i32
    %lt3A_189 = vector.broadcast %lt3A_188 : i32 to vector<16xi32>
    %lt3A_190 = arith.cmpi slt, %add3A_170, %lt3A_189 : vector<16xi32>
    %add3A_191 = arith.constant 213 : i32
    %add3A_192 = vector.broadcast %add3A_191 : i32 to vector<16xi32>
    %add3A_193 = arith.addi %add3A_170, %add3A_192 : vector<16xi32>
    %select_n3A_194 = arith.select %lt3A_190, %min3A_184, %add3A_193 : vector<16xi1>, vector<16xi32>
    %select_n3A_195 = arith.select %lt3A_187, %add3A_170, %select_n3A_194 : vector<16xi1>, vector<16xi32>
    %convert_element_type3A_196 = arith.sitofp %select_n3A_195 : vector<16xi32> to vector<16xf32>
    %mul3A_197 = arith.constant 1.09179688 : f32
    %mul3A_198 = vector.broadcast %mul3A_197 : f32 to vector<16xf32>
    %mul3A_199 = arith.mulf %convert_element_type3A_196, %mul3A_198 : vector<16xf32>
    %convert_element_type3A_200 = arith.fptosi %mul3A_199 : vector<16xf32> to vector<16xi32>
    %min3A_201 = arith.constant 3847 : i32
    %min3A_202 = vector.broadcast %min3A_201 : i32 to vector<16xi32>
    %min3A_203 = arith.minsi %convert_element_type3A_200, %min3A_202 : vector<16xi32>
    %swap3A_204 = arith.constant 64 : index
    %swap3A_205 = tpu.vector_load %arg5[%swap3A_204] {strides = array<i32>} : memref<112xi32, #tpu.memory_space<vmem>>, vector<16xi32>,
    %swap3A_206 = vector.shape_cast %swap3A_205 : vector<16xi32> to vector<16xi32>
    %swap3A_207 = vector.shape_cast %min3A_203 : vector<16xi32> to vector<16xi32>
    tpu.vector_store %arg5[%swap3A_204], %swap3A_207 {strides = array<i32>} : memref<112xi32, #tpu.memory_space<vmem>>, vector<16xi32>,
    %iota3A_208 = tpu.iota {dimensions = array<i32: 0>} : vector<16xi32>
    %add3A_209 = arith.constant 80 : i32
    %add3A_210 = arith.addi %select_n3A, %add3A_209 : i32
    %add3A_211 = vector.broadcast %add3A_210 : i32 to vector<16xi32>
    %add3A_212 = arith.addi %iota3A_208, %add3A_211 : vector<16xi32>
    %convert_element_type3A_213 = arith.sitofp %add3A_212 : vector<16xi32> to vector<16xf32>
    %sub3A_214 = arith.constant 1.533000e+03 : f32
    %sub3A_215 = vector.broadcast %sub3A_214 : f32 to vector<16xf32>
    %sub3A_216 = arith.subf %convert_element_type3A_213, %sub3A_215 : vector<16xf32>
    %mul3A_217 = arith.constant 1.43554688 : f32
    %mul3A_218 = vector.broadcast %mul3A_217 : f32 to vector<16xf32>
    %mul3A_219 = arith.mulf %sub3A_216, %mul3A_218 : vector<16xf32>
    %add3A_220 = arith.constant 1.533000e+03 : f32
    %add3A_221 = vector.broadcast %add3A_220 : f32 to vector<16xf32>
    %add3A_222 = arith.addf %mul3A_219, %add3A_221 : vector<16xf32>
    %convert_element_type3A_223 = arith.fptosi %add3A_222 : vector<16xf32> to vector<16xi32>
    %min3A_224 = arith.constant 3524 : i32
    %min3A_225 = vector.broadcast %min3A_224 : i32 to vector<16xi32>
    %min3A_226 = arith.minsi %convert_element_type3A_223, %min3A_225 : vector<16xi32>
    %lt3A_227 = arith.constant 1533 : i32
    %lt3A_228 = vector.broadcast %lt3A_227 : i32 to vector<16xi32>
    %lt3A_229 = arith.cmpi slt, %add3A_212, %lt3A_228 : vector<16xi32>
    %lt3A_230 = arith.constant 2024 : i32
    %lt3A_231 = vector.broadcast %lt3A_230 : i32 to vector<16xi32>
    %lt3A_232 = arith.cmpi slt, %add3A_212, %lt3A_231 : vector<16xi32>
    %add3A_233 = arith.constant 213 : i32
    %add3A_234 = vector.broadcast %add3A_233 : i32 to vector<16xi32>
    %add3A_235 = arith.addi %add3A_212, %add3A_234 : vector<16xi32>
    %select_n3A_236 = arith.select %lt3A_232, %min3A_226, %add3A_235 : vector<16xi1>, vector<16xi32>
    %select_n3A_237 = arith.select %lt3A_229, %add3A_212, %select_n3A_236 : vector<16xi1>, vector<16xi32>
    %convert_element_type3A_238 = arith.sitofp %select_n3A_237 : vector<16xi32> to vector<16xf32>
    %mul3A_239 = arith.constant 1.09179688 : f32
    %mul3A_240 = vector.broadcast %mul3A_239 : f32 to vector<16xf32>
    %mul3A_241 = arith.mulf %convert_element_type3A_238, %mul3A_240 : vector<16xf32>
    %convert_element_type3A_242 = arith.fptosi %mul3A_241 : vector<16xf32> to vector<16xi32>
    %min3A_243 = arith.constant 3847 : i32
    %min3A_244 = vector.broadcast %min3A_243 : i32 to vector<16xi32>
    %min3A_245 = arith.minsi %convert_element_type3A_242, %min3A_244 : vector<16xi32>
    %swap3A_246 = arith.constant 80 : index
    %swap3A_247 = tpu.vector_load %arg5[%swap3A_246] {strides = array<i32>} : memref<112xi32, #tpu.memory_space<vmem>>, vector<16xi32>,
    %swap3A_248 = vector.shape_cast %swap3A_247 : vector<16xi32> to vector<16xi32>
    %swap3A_249 = vector.shape_cast %min3A_245 : vector<16xi32> to vector<16xi32>
    tpu.vector_store %arg5[%swap3A_246], %swap3A_249 {strides = array<i32>} : memref<112xi32, #tpu.memory_space<vmem>>, vector<16xi32>,
    %iota3A_250 = tpu.iota {dimensions = array<i32: 0>} : vector<16xi32>
    %add3A_251 = arith.constant 96 : i32
    %add3A_252 = arith.addi %select_n3A, %add3A_251 : i32
    %add3A_253 = vector.broadcast %add3A_252 : i32 to vector<16xi32>
    %add3A_254 = arith.addi %iota3A_250, %add3A_253 : vector<16xi32>
    %convert_element_type3A_255 = arith.sitofp %add3A_254 : vector<16xi32> to vector<16xf32>
    %sub3A_256 = arith.constant 1.533000e+03 : f32
    %sub3A_257 = vector.broadcast %sub3A_256 : f32 to vector<16xf32>
    %sub3A_258 = arith.subf %convert_element_type3A_255, %sub3A_257 : vector<16xf32>
    %mul3A_259 = arith.constant 1.43554688 : f32
    %mul3A_260 = vector.broadcast %mul3A_259 : f32 to vector<16xf32>
    %mul3A_261 = arith.mulf %sub3A_258, %mul3A_260 : vector<16xf32>
    %add3A_262 = arith.constant 1.533000e+03 : f32
    %add3A_263 = vector.broadcast %add3A_262 : f32 to vector<16xf32>
    %add3A_264 = arith.addf %mul3A_261, %add3A_263 : vector<16xf32>
    %convert_element_type3A_265 = arith.fptosi %add3A_264 : vector<16xf32> to vector<16xi32>
    %min3A_266 = arith.constant 3524 : i32
    %min3A_267 = vector.broadcast %min3A_266 : i32 to vector<16xi32>
    %min3A_268 = arith.minsi %convert_element_type3A_265, %min3A_267 : vector<16xi32>
    %lt3A_269 = arith.constant 1533 : i32
    %lt3A_270 = vector.broadcast %lt3A_269 : i32 to vector<16xi32>
    %lt3A_271 = arith.cmpi slt, %add3A_254, %lt3A_270 : vector<16xi32>
    %lt3A_272 = arith.constant 2024 : i32
    %lt3A_273 = vector.broadcast %lt3A_272 : i32 to vector<16xi32>
    %lt3A_274 = arith.cmpi slt, %add3A_254, %lt3A_273 : vector<16xi32>
    %add3A_275 = arith.constant 213 : i32
    %add3A_276 = vector.broadcast %add3A_275 : i32 to vector<16xi32>
    %add3A_277 = arith.addi %add3A_254, %add3A_276 : vector<16xi32>
    %select_n3A_278 = arith.select %lt3A_274, %min3A_268, %add3A_277 : vector<16xi1>, vector<16xi32>
    %select_n3A_279 = arith.select %lt3A_271, %add3A_254, %select_n3A_278 : vector<16xi1>, vector<16xi32>
    %convert_element_type3A_280 = arith.sitofp %select_n3A_279 : vector<16xi32> to vector<16xf32>
    %mul3A_281 = arith.constant 1.09179688 : f32
    %mul3A_282 = vector.broadcast %mul3A_281 : f32 to vector<16xf32>
    %mul3A_283 = arith.mulf %convert_element_type3A_280, %mul3A_282 : vector<16xf32>
    %convert_element_type3A_284 = arith.fptosi %mul3A_283 : vector<16xf32> to vector<16xi32>
    %min3A_285 = arith.constant 3847 : i32
    %min3A_286 = vector.broadcast %min3A_285 : i32 to vector<16xi32>
    %min3A_287 = arith.minsi %convert_element_type3A_284, %min3A_286 : vector<16xi32>
    %swap3A_288 = arith.constant 96 : index
    %swap3A_289 = tpu.vector_load %arg5[%swap3A_288] {strides = array<i32>} : memref<112xi32, #tpu.memory_space<vmem>>, vector<16xi32>,
    %swap3A_290 = vector.shape_cast %swap3A_289 : vector<16xi32> to vector<16xi32>
    %swap3A_291 = vector.shape_cast %min3A_287 : vector<16xi32> to vector<16xi32>
    tpu.vector_store %arg5[%swap3A_288], %swap3A_291 {strides = array<i32>} : memref<112xi32, #tpu.memory_space<vmem>>, vector<16xi32>,
    %dma_start3A = arith.constant 0 : i32
    %dma_start3A_292 = arith.constant 0 : i32
    %dma_start3A_293 = arith.constant 0 : i32
    %dma_start3A_294 = tpu.memref_slice %arg6[%dma_start3A_292, %dma_start3A_293] : memref<104x512xf32, #tpu.memory_space<vmem>> -> memref<104x512xf32, #tpu.memory_space<vmem>>
    %dma_start3A_295 = arith.constant 0 : i32
    %dma_start3A_296 = tpu.memref_slice %arg5[%dma_start3A_295] : memref<112xi32, #tpu.memory_space<vmem>> -> memref<104xi32, #tpu.memory_space<vmem>>
    %dma_start3A_297 = arith.constant 0 : i32
    %dma_start3A_298 = arith.constant 0 : i32
    %dma_start3A_299 = tpu.memref_slice %arg2[%dma_start3A_297, %dma_start3A_298] : memref<4096x512xf32, #tpu.memory_space<hbm>> -> memref<4096x512xf32, #tpu.memory_space<hbm>>
    %dma_start3A_300 = tpu.memref_slice %arg8[%dma_start3A] : memref<2x!tpu.dma_semaphore, #tpu.memory_space<semaphore_mem>> -> memref<1x!tpu.dma_semaphore, #tpu.memory_space<semaphore_mem>>
    %dma_start3A_301 = tpu.memref_squeeze %dma_start3A_300 : memref<1x!tpu.dma_semaphore, #tpu.memory_space<semaphore_mem>> -> memref<!tpu.dma_semaphore, #tpu.memory_space<semaphore_mem>>
    tpu.enqueue_indirect_dma source(%dma_start3A_299 : memref<4096x512xf32, #tpu.memory_space<hbm>>) target(%dma_start3A_294 : memref<104x512xf32, #tpu.memory_space<vmem>>) offsets(%dma_start3A_296 : memref<104xi32, #tpu.memory_space<vmem>>) semaphore(%dma_start3A_301 : memref<!tpu.dma_semaphore, #tpu.memory_space<semaphore_mem>>)
    %dma_start3A_302 = arith.constant 1 : i32
    %dma_start3A_303 = arith.constant 0 : i32
    %dma_start3A_304 = arith.constant 0 : i32
    %dma_start3A_305 = tpu.memref_slice %arg7[%dma_start3A_303, %dma_start3A_304] : memref<104x512xf32, #tpu.memory_space<vmem>> -> memref<104x512xf32, #tpu.memory_space<vmem>>
    %dma_start3A_306 = arith.constant 0 : i32
    %dma_start3A_307 = tpu.memref_slice %arg5[%dma_start3A_306] : memref<112xi32, #tpu.memory_space<vmem>> -> memref<104xi32, #tpu.memory_space<vmem>>
    %dma_start3A_308 = arith.constant 0 : i32
    %dma_start3A_309 = arith.constant 0 : i32
    %dma_start3A_310 = tpu.memref_slice %arg3[%dma_start3A_308, %dma_start3A_309] : memref<4096x512xf32, #tpu.memory_space<hbm>> -> memref<4096x512xf32, #tpu.memory_space<hbm>>
    %dma_start3A_311 = tpu.memref_slice %arg8[%dma_start3A_302] : memref<2x!tpu.dma_semaphore, #tpu.memory_space<semaphore_mem>> -> memref<1x!tpu.dma_semaphore, #tpu.memory_space<semaphore_mem>>
    %dma_start3A_312 = tpu.memref_squeeze %dma_start3A_311 : memref<1x!tpu.dma_semaphore, #tpu.memory_space<semaphore_mem>> -> memref<!tpu.dma_semaphore, #tpu.memory_space<semaphore_mem>>
    tpu.enqueue_indirect_dma source(%dma_start3A_310 : memref<4096x512xf32, #tpu.memory_space<hbm>>) target(%dma_start3A_305 : memref<104x512xf32, #tpu.memory_space<vmem>>) offsets(%dma_start3A_307 : memref<104xi32, #tpu.memory_space<vmem>>) semaphore(%dma_start3A_312 : memref<!tpu.dma_semaphore, #tpu.memory_space<semaphore_mem>>)
    %dma_wait3A = arith.constant 0 : i32
    %dma_wait3A_313 = arith.constant 0 : i32
    %dma_wait3A_314 = arith.constant 0 : i32
    %dma_wait3A_315 = tpu.memref_slice %arg6[%dma_wait3A_313, %dma_wait3A_314] : memref<104x512xf32, #tpu.memory_space<vmem>> -> memref<104x512xf32, #tpu.memory_space<vmem>>
    %dma_wait3A_316 = arith.constant 0 : i32
    %dma_wait3A_317 = tpu.memref_slice %arg5[%dma_wait3A_316] : memref<112xi32, #tpu.memory_space<vmem>> -> memref<104xi32, #tpu.memory_space<vmem>>
    %dma_wait3A_318 = arith.constant 0 : i32
    %dma_wait3A_319 = arith.constant 0 : i32
    %dma_wait3A_320 = tpu.memref_slice %arg2[%dma_wait3A_318, %dma_wait3A_319] : memref<4096x512xf32, #tpu.memory_space<hbm>> -> memref<4096x512xf32, #tpu.memory_space<hbm>>
    %dma_wait3A_321 = tpu.memref_slice %arg8[%dma_wait3A] : memref<2x!tpu.dma_semaphore, #tpu.memory_space<semaphore_mem>> -> memref<1x!tpu.dma_semaphore, #tpu.memory_space<semaphore_mem>>
    %dma_wait3A_322 = tpu.memref_squeeze %dma_wait3A_321 : memref<1x!tpu.dma_semaphore, #tpu.memory_space<semaphore_mem>> -> memref<!tpu.dma_semaphore, #tpu.memory_space<semaphore_mem>>
    tpu.wait_indirect_dma semaphore(%dma_wait3A_322 : memref<!tpu.dma_semaphore, #tpu.memory_space<semaphore_mem>>) src(%dma_wait3A_320 : memref<4096x512xf32, #tpu.memory_space<hbm>>) dst(%dma_wait3A_315 : memref<104x512xf32, #tpu.memory_space<vmem>>)
    %add3A_323 = arith.constant 0 : i32
    %add3A_324 = arith.addi %select_n3A, %add3A_323 : i32
    %add3A_325 = arith.constant 0 : i32
    %add3A_326 = arith.addi %add3A_324, %add3A_325 : i32
    %dma_start3A_327 = arith.constant 0 : i32
    %dma_start3A_328 = arith.constant 0 : i32
    %dma_start3A_329 = arith.constant 0 : i32
    %dma_start3A_330 = tpu.memref_slice %arg6[%dma_start3A_328, %dma_start3A_329] : memref<104x512xf32, #tpu.memory_space<vmem>> -> memref<104x512xf32, #tpu.memory_space<vmem>>
    %dma_start3A_331 = arith.constant 0 : i32
    %dma_start3A_332 = tpu.memref_slice %arg4[%add3A_326, %dma_start3A_331] : memref<6624x512xf32, #tpu.memory_space<hbm>> -> memref<104x512xf32, #tpu.memory_space<hbm>>
    %dma_start3A_333 = tpu.memref_slice %arg9[%dma_start3A_327] : memref<2x!tpu.dma_semaphore, #tpu.memory_space<semaphore_mem>> -> memref<1x!tpu.dma_semaphore, #tpu.memory_space<semaphore_mem>>
    %dma_start3A_334 = tpu.memref_squeeze %dma_start3A_333 : memref<1x!tpu.dma_semaphore, #tpu.memory_space<semaphore_mem>> -> memref<!tpu.dma_semaphore, #tpu.memory_space<semaphore_mem>>
    %dma_start3A_335 = arith.constant 0 : i32
    %dma_start3A_336 = tpu.memref_slice %arg4[%add3A_326, %dma_start3A_335] : memref<6624x512xf32, #tpu.memory_space<hbm>> -> memref<104x512xf32, #tpu.memory_space<hbm>>
    %dma_start3A_337 = arith.constant 0 : i32
    %dma_start3A_338 = arith.constant 0 : i32
    %dma_start3A_339 = tpu.memref_slice %arg6[%dma_start3A_337, %dma_start3A_338] : memref<104x512xf32, #tpu.memory_space<vmem>> -> memref<104x512xf32, #tpu.memory_space<vmem>>
    tpu.enqueue_dma source(%dma_start3A_339 : memref<104x512xf32, #tpu.memory_space<vmem>>) target(%dma_start3A_336 : memref<104x512xf32, #tpu.memory_space<hbm>>) target_semaphore(%dma_start3A_334 : memref<!tpu.dma_semaphore, #tpu.memory_space<semaphore_mem>>)
    %dma_wait3A_340 = arith.constant 1 : i32
    %dma_wait3A_341 = arith.constant 0 : i32
    %dma_wait3A_342 = arith.constant 0 : i32
    %dma_wait3A_343 = tpu.memref_slice %arg7[%dma_wait3A_341, %dma_wait3A_342] : memref<104x512xf32, #tpu.memory_space<vmem>> -> memref<104x512xf32, #tpu.memory_space<vmem>>
    %dma_wait3A_344 = arith.constant 0 : i32
    %dma_wait3A_345 = tpu.memref_slice %arg5[%dma_wait3A_344] : memref<112xi32, #tpu.memory_space<vmem>> -> memref<104xi32, #tpu.memory_space<vmem>>
    %dma_wait3A_346 = arith.constant 0 : i32
    %dma_wait3A_347 = arith.constant 0 : i32
    %dma_wait3A_348 = tpu.memref_slice %arg3[%dma_wait3A_346, %dma_wait3A_347] : memref<4096x512xf32, #tpu.memory_space<hbm>> -> memref<4096x512xf32, #tpu.memory_space<hbm>>
    %dma_wait3A_349 = tpu.memref_slice %arg8[%dma_wait3A_340] : memref<2x!tpu.dma_semaphore, #tpu.memory_space<semaphore_mem>> -> memref<1x!tpu.dma_semaphore, #tpu.memory_space<semaphore_mem>>
    %dma_wait3A_350 = tpu.memref_squeeze %dma_wait3A_349 : memref<1x!tpu.dma_semaphore, #tpu.memory_space<semaphore_mem>> -> memref<!tpu.dma_semaphore, #tpu.memory_space<semaphore_mem>>
    tpu.wait_indirect_dma semaphore(%dma_wait3A_350 : memref<!tpu.dma_semaphore, #tpu.memory_space<semaphore_mem>>) src(%dma_wait3A_348 : memref<4096x512xf32, #tpu.memory_space<hbm>>) dst(%dma_wait3A_343 : memref<104x512xf32, #tpu.memory_space<vmem>>)
    %add3A_351 = arith.constant 0 : i32
    %add3A_352 = arith.addi %select_n3A, %add3A_351 : i32
    %add3A_353 = arith.constant 3312 : i32
    %add3A_354 = arith.addi %add3A_352, %add3A_353 : i32
    %dma_start3A_355 = arith.constant 1 : i32
    %dma_start3A_356 = arith.constant 0 : i32
    %dma_start3A_357 = arith.constant 0 : i32
    %dma_start3A_358 = tpu.memref_slice %arg7[%dma_start3A_356, %dma_start3A_357] : memref<104x512xf32, #tpu.memory_space<vmem>> -> memref<104x512xf32, #tpu.memory_space<vmem>>
    %dma_start3A_359 = arith.constant 0 : i32
    %dma_start3A_360 = tpu.memref_slice %arg4[%add3A_354, %dma_start3A_359] : memref<6624x512xf32, #tpu.memory_space<hbm>> -> memref<104x512xf32, #tpu.memory_space<hbm>>
    %dma_start3A_361 = tpu.memref_slice %arg9[%dma_start3A_355] : memref<2x!tpu.dma_semaphore, #tpu.memory_space<semaphore_mem>> -> memref<1x!tpu.dma_semaphore, #tpu.memory_space<semaphore_mem>>
    %dma_start3A_362 = tpu.memref_squeeze %dma_start3A_361 : memref<1x!tpu.dma_semaphore, #tpu.memory_space<semaphore_mem>> -> memref<!tpu.dma_semaphore, #tpu.memory_space<semaphore_mem>>
    %dma_start3A_363 = arith.constant 0 : i32
    %dma_start3A_364 = tpu.memref_slice %arg4[%add3A_354, %dma_start3A_363] : memref<6624x512xf32, #tpu.memory_space<hbm>> -> memref<104x512xf32, #tpu.memory_space<hbm>>
    %dma_start3A_365 = arith.constant 0 : i32
    %dma_start3A_366 = arith.constant 0 : i32
    %dma_start3A_367 = tpu.memref_slice %arg7[%dma_start3A_365, %dma_start3A_366] : memref<104x512xf32, #tpu.memory_space<vmem>> -> memref<104x512xf32, #tpu.memory_space<vmem>>
    tpu.enqueue_dma source(%dma_start3A_367 : memref<104x512xf32, #tpu.memory_space<vmem>>) target(%dma_start3A_364 : memref<104x512xf32, #tpu.memory_space<hbm>>) target_semaphore(%dma_start3A_362 : memref<!tpu.dma_semaphore, #tpu.memory_space<semaphore_mem>>)
    %dma_wait3A_368 = arith.constant 0 : i32
    %dma_wait3A_369 = arith.constant 0 : i32
    %dma_wait3A_370 = arith.constant 0 : i32
    %dma_wait3A_371 = tpu.memref_slice %arg6[%dma_wait3A_369, %dma_wait3A_370] : memref<104x512xf32, #tpu.memory_space<vmem>> -> memref<104x512xf32, #tpu.memory_space<vmem>>
    %dma_wait3A_372 = arith.constant 0 : i32
    %dma_wait3A_373 = tpu.memref_slice %arg4[%add3A_326, %dma_wait3A_372] : memref<6624x512xf32, #tpu.memory_space<hbm>> -> memref<104x512xf32, #tpu.memory_space<hbm>>
    %dma_wait3A_374 = tpu.memref_slice %arg9[%dma_wait3A_368] : memref<2x!tpu.dma_semaphore, #tpu.memory_space<semaphore_mem>> -> memref<1x!tpu.dma_semaphore, #tpu.memory_space<semaphore_mem>>
    %dma_wait3A_375 = tpu.memref_squeeze %dma_wait3A_374 : memref<1x!tpu.dma_semaphore, #tpu.memory_space<semaphore_mem>> -> memref<!tpu.dma_semaphore, #tpu.memory_space<semaphore_mem>>
    %dma_wait3A_376 = arith.constant 0 : i32
    %dma_wait3A_377 = tpu.memref_slice %arg4[%add3A_326, %dma_wait3A_376] : memref<6624x512xf32, #tpu.memory_space<hbm>> -> memref<104x512xf32, #tpu.memory_space<hbm>>
    %dma_wait3A_378 = arith.constant 0 : i32
    %dma_wait3A_379 = arith.constant 0 : i32
    %dma_wait3A_380 = tpu.memref_slice %arg6[%dma_wait3A_378, %dma_wait3A_379] : memref<104x512xf32, #tpu.memory_space<vmem>> -> memref<104x512xf32, #tpu.memory_space<vmem>>
    tpu.wait_dma2 semaphore(%dma_wait3A_375 : memref<!tpu.dma_semaphore, #tpu.memory_space<semaphore_mem>>) src(%dma_wait3A_380 : memref<104x512xf32, #tpu.memory_space<vmem>>) dst(%dma_wait3A_377 : memref<104x512xf32, #tpu.memory_space<hbm>>)
    %dma_wait3A_381 = arith.constant 1 : i32
    %dma_wait3A_382 = arith.constant 0 : i32
    %dma_wait3A_383 = arith.constant 0 : i32
    %dma_wait3A_384 = tpu.memref_slice %arg7[%dma_wait3A_382, %dma_wait3A_383] : memref<104x512xf32, #tpu.memory_space<vmem>> -> memref<104x512xf32, #tpu.memory_space<vmem>>
    %dma_wait3A_385 = arith.constant 0 : i32
    %dma_wait3A_386 = tpu.memref_slice %arg4[%add3A_354, %dma_wait3A_385] : memref<6624x512xf32, #tpu.memory_space<hbm>> -> memref<104x512xf32, #tpu.memory_space<hbm>>
    %dma_wait3A_387 = tpu.memref_slice %arg9[%dma_wait3A_381] : memref<2x!tpu.dma_semaphore, #tpu.memory_space<semaphore_mem>> -> memref<1x!tpu.dma_semaphore, #tpu.memory_space<semaphore_mem>>
    %dma_wait3A_388 = tpu.memref_squeeze %dma_wait3A_387 : memref<1x!tpu.dma_semaphore, #tpu.memory_space<semaphore_mem>> -> memref<!tpu.dma_semaphore, #tpu.memory_space<semaphore_mem>>
    %dma_wait3A_389 = arith.constant 0 : i32
    %dma_wait3A_390 = tpu.memref_slice %arg4[%add3A_354, %dma_wait3A_389] : memref<6624x512xf32, #tpu.memory_space<hbm>> -> memref<104x512xf32, #tpu.memory_space<hbm>>
    %dma_wait3A_391 = arith.constant 0 : i32
    %dma_wait3A_392 = arith.constant 0 : i32
    %dma_wait3A_393 = tpu.memref_slice %arg7[%dma_wait3A_391, %dma_wait3A_392] : memref<104x512xf32, #tpu.memory_space<vmem>> -> memref<104x512xf32, #tpu.memory_space<vmem>>
    tpu.wait_dma2 semaphore(%dma_wait3A_388 : memref<!tpu.dma_semaphore, #tpu.memory_space<semaphore_mem>>) src(%dma_wait3A_393 : memref<104x512xf32, #tpu.memory_space<vmem>>) dst(%dma_wait3A_390 : memref<104x512xf32, #tpu.memory_space<hbm>>)
    return
  }
}

</mosaic_0001>

<sc_bundles>
// kernel: kernel.3.cloned.1.call-start
scs
__scs_entry_jumppad:
0x0: {  	(pc) =	sbr.rel $0x88, $3  }
0x1: {  	(tag) =	ssettag $0x0;
	lr =	simm.s32 $0x1  }
0x2: {  	[smem:$0x3F9F] =	sst lr;
	_ =	strace $0xD0000000  }
0x3: {  	_ = 	snop  }
0x4: {  	_ = 	snop  }
0x5: {  	_ = 	snop  }
0x6: {  	_ = 	snop  }
0x7: {  	_ = 	snop  }
__scs_overlays_trampoline_lowered:
0x8: {  	[smem:$0x3FAE] =	sst s0  }
0x9: {  	[smem:$0x3FAF] =	sst s1  }
0xa: {  	[smem:$0x3FB0] =	sst s2  }
0xb: {  	[smem:$0x3FB1] =	sst s3  }
0xc: {  	[smem:$0x3FB2] =	sst s4  }
0xd: {  	[smem:$0x3FB3] =	sst s5  }
0xe: {  	[smem:$0x3FB4] =	sst s6  }
0xf: {  	[smem:$0x3FB5] =	sst s7  }
0x10: {  	[smem:$0x3FB6] =	sst s8  }
0x11: {  	[smem:$0x3FB7] =	sst s9;
	s0 =	simm.s32 @!p0 $0x0  }
0x12: {  	s1 =	sld [smem:$0x3F9D];
	s0 =	simm.s32 @p0 $0x1  }
0x13: {  	[smem:$0x3FB8] =	sst s0;
	s0 =	simm.s32 @!p1 $0x0  }
0x14: {  	s2 =	sld [smem:$0x3F9C];
	s0 =	simm.s32 @p1 $0x1  }
0x15: {  	[smem:$0x3FB9] =	sst s0;
	s0 =	simm.s32 @!p2 $0x0  }
0x16: {  	s3 =	sld [smem:$0x3FDB];
	s0 =	simm.s32 @p2 $0x1  }
0x17: {  	s4 =	simm.s32 $0x1BF5;
	[smem:$0x3FBB] =	sst s0  }
0x18: {  	s0 =	sld [smem:$0x3F9E];
	_ =	swait.ge [sflag:s4], $0x0  }
0x19: {  	s7 =	sld [smem:$0x3F9F]  }
0x1a: {  	s8 =	sadd.s32 $0xFFFFE003, lr  }
0x1b: {  	s9 =	sadd.s32 $0xFFFFFEF7, lr;
	s5 =	simm.s32 $0xFFFFFFFF;
	p2 =	slt.u32 s8, $0xFFFFF086  }
0x1c: {  	p1 =	slt.u32 s9, $0xF7A;
	s5 =	simm.s32 @!p2 $0x0  }
0x1d: {  	s5 =	simm.s32 @p1 $0x1;
	p0 =	seq.s32 s7, s2  }
0x1e: {  	s7 =	smul.u32 @!p0 $0xF7A, s2;
	p2 =	seq.s32 @!p0 s5, $0x0  }
0x1f: {  	s9 =	smul.u32 $0xF7A, s1;
	s8 =	simm.s32 @!p0 $0x1BF5;
	p2 =	por !p2, p0  }
0x20: {  	[sflag:s8] =	ssyncset.s32 @!p0 $0xFFFFF086;
	s6 =	sadd.s32 @!p0 s3, s7;
	s7 =	simm.s32 @!p0 $0x108  }
0x21: {  	s3 =	sadd.s32 s3, s9;
	s6 =	sadd.s32 @!p0 $0x88, s6;
	s7 =	simm.s32 @p2 $0x1082  }
0x22: {  	[simem:s7], [sflag:s8] =	dma.local @!p0 [hbm:s6], $0xF7A  }
0x23: {  	s9 =	sor.u32 $0xD0000000, s2;
	s6 =	simm.s32 $0x108;
	_ =	swait.ge @!p0 [sflag:s8], $0x0  }
0x24: {  	s3 =	sadd.s32 $0x88, s3;
	s6 =	simm.s32 @!p1 $0x1082;
	[sflag:s4] =	ssyncset.s32 $0xFFFFF086  }
0x25: {  	[simem:s6], [sflag:s4] =	dma.local [hbm:s3], $0xF7A  }
0x26: {  	[smem:$0x3F9F] =	sst s1;
	(tag) =	ssettag s2;
	_ =	strace s9  }
0x27: {  	s1 =	sld [smem:$0x3FAF]  }
0x28: {  	s2 =	sld [smem:$0x3FB0]  }
0x29: {  	s4 =	sld [smem:$0x3FB2]  }
0x2a: {  	p0 =	seq.s32 s5, $0x0;
	s5 =	sld [smem:$0x3FB3]  }
0x2b: {  	s6 =	sld [smem:$0x3FB4]  }
0x2c: {  	s7 =	sld [smem:$0x3FB5]  }
0x2d: {  	s3 =	simm.s32 $0x108;
	s8 =	sld [smem:$0x3FB6]  }
0x2e: {  	s3 =	simm.s32 @!p0 $0x1082;
	s9 =	sld [smem:$0x3FB7]  }
0x2f: {  	lr =	sadd.s32 s0, s3;
	s0 =	sld [smem:$0x3FAE]  }
0x30: {  	s3 =	sld [smem:$0x3FB1]  }
0x31: {  	[smem:$0x3FBA] =	sst s10  }
0x32: {  	s10 =	sld [smem:$0x3FB8];
	_ =	sdelay $0x3  }
0x33: {  	p0 =	seq.s32 s10, $0x1;
	s10 =	sld [smem:$0x3FBA];
	_ =	sdelay $0x3  }
0x34: {  	[smem:$0x3FBA] =	sst s10  }
0x35: {  	s10 =	sld [smem:$0x3FB9];
	_ =	sdelay $0x3  }
0x36: {  	p1 =	seq.s32 s10, $0x1;
	s10 =	sld [smem:$0x3FBA];
	_ =	sdelay $0x3  }
0x37: {  	[smem:$0x3FBA] =	sst s10  }
0x38: {  	s10 =	sld [smem:$0x3FBB]  }
0x39: {  	_ = 	snop;
	(pc) =	sbr.ind lr, $3  }
0x3a: {  	_ = 	snop  }
0x3b: {  	_ = 	snop  }
0x3c: {  	p2 =	seq.s32 s10, $0x1;
	s10 =	sld [smem:$0x3FBA]  }
0x3d: {  	_ =	shalt  }
0x3e: {  	_ =	shalt  }
0x3f: {  	_ =	shalt  }
0x40: {  	_ =	shalt  }
0x41: {  	_ =	shalt  }
0x42: {  	_ =	shalt  }
0x43: {  	_ =	shalt  }
0x44: {  	_ =	shalt  }
0x45: {  	_ =	shalt  }
0x46: {  	_ =	shalt  }
0x47: {  	_ =	shalt  }
0x48: {  	_ =	shalt  }
0x49: {  	_ =	shalt  }
0x4a: {  	_ =	shalt  }
0x4b: {  	_ =	shalt  }
0x4c: {  	_ =	shalt  }
0x4d: {  	_ =	shalt  }
0x4e: {  	_ =	shalt  }
0x4f: {  	_ =	shalt  }
0x50: {  	_ =	shalt  }
0x51: {  	_ =	shalt  }
0x52: {  	_ =	shalt  }
0x53: {  	_ =	shalt  }
0x54: {  	_ =	shalt  }
0x55: {  	_ =	shalt  }
0x56: {  	_ =	shalt  }
0x57: {  	_ =	shalt  }
0x58: {  	_ =	shalt  }
0x59: {  	_ =	shalt  }
0x5a: {  	_ =	shalt  }
0x5b: {  	_ =	shalt  }
0x5c: {  	_ =	shalt  }
0x5d: {  	_ =	shalt  }
0x5e: {  	_ =	shalt  }
0x5f: {  	_ =	shalt  }
0x60: {  	_ =	shalt  }
0x61: {  	_ =	shalt  }
0x62: {  	_ =	shalt  }
0x63: {  	_ =	shalt  }
0x64: {  	_ =	shalt  }
0x65: {  	_ =	shalt  }
0x66: {  	_ =	shalt  }
0x67: {  	_ =	shalt  }
0x68: {  	_ =	shalt  }
0x69: {  	_ =	shalt  }
0x6a: {  	_ =	shalt  }
0x6b: {  	_ =	shalt  }
0x6c: {  	_ =	shalt  }
0x6d: {  	_ =	shalt  }
0x6e: {  	_ =	shalt  }
0x6f: {  	_ =	shalt  }
0x70: {  	_ =	shalt  }
0x71: {  	_ =	shalt  }
0x72: {  	_ =	shalt  }
0x73: {  	_ =	shalt  }
0x74: {  	_ =	shalt  }
0x75: {  	_ =	shalt  }
0x76: {  	_ =	shalt  }
0x77: {  	_ =	shalt  }
0x78: {  	_ =	shalt  }
0x79: {  	_ =	shalt  }
0x7a: {  	_ =	shalt  }
0x7b: {  	_ =	shalt  }
0x7c: {  	_ =	shalt  }
0x7d: {  	_ =	shalt  }
0x7e: {  	_ =	shalt  }
0x7f: {  	_ =	shalt  }
0x80: {  	_ =	shalt  }
0x81: {  	_ =	shalt  }
0x82: {  	_ =	shalt  }
0x83: {  	_ =	shalt  }
0x84: {  	_ =	shalt  }
0x85: {  	_ =	shalt  }
0x86: {  	_ =	shalt  }
0x87: {  	_ =	shalt  }
.Lfunc_end0:
.L_simem_size_0:
called_computation_lowered:
.L_overlay_start_0:
0x88: {  	s2 =	sld [smem:$0x3FD9]  }
0x89: {  	s3 =	sld [smem:$0x3FFE];
	_ =	sdelay $0x1  }
0x8a: {  	s1 =	srdreg.scid  }
0x8b: {  	s0 =	sand.u32 $0x1, s1  }
0x8c: {  	s18 =	sshll.u32 s0, $0xA;
	s2 =	sadd.s32 s3, s2  }
0x8d: {  	s2 =	sadd.s32 s2, s18  }
0x8e: {  	[smem:$0x3FC6] =	sst s2  }
0x8f: {  	_ = 	snop  }
0x90: {  	s2 =	sld [smem:$0x3FC9]  }
0x91: {  	s19 =	sld [smem:$0x3FC8]  }
0x92: {  	s4 =	sld [smem:$0x3FD0];
	(tm) =	ssettm $0x1  }
0x93: {  	s5 =	sld [smem:$0x3FFB];
	_ =	sdelay $0x3  }
0x94: {  	_ =	strace s5  }
0x95: {  	s5 =	sld [smem:$0x3FFC];
	_ =	sdelay $0x3  }
0x96: {  	_ =	strace s5  }
0x97: {  	s5 =	sld [smem:$0x3FFD];
	_ =	sdelay $0x3  }
0x98: {  	_ =	strace s5  }
0x99: {  	_ =	strace $0x8FFFFFFF  }
0x9a: {  	s20 =	sld [smem:$0x3FDB];
	_ =	sdelay $0x1  }
0x9b: {  	s6 =	simm.s32 $_scs_section_size  }
0x9c: {  	s7 =	simm.s32 $_size__tile_overlayer_lowered;
	s8 =	simm.s32 $_tile_overlayer_lowered  }
0x9d: {  	s23 =	simm.s32 $0x1BFF;
	s22 =	sshll.u32 s8, $0x1;
	s5 =	sadd.s32 s6, s20  }
0x9e: {  	s9 =	simm.s32 $0x0;
	s21 =	sshll.u32 s7, $0x1;
	s7 =	sadd.s32 s22, s5  }
0x9f: {  	[timem:s9], [sflag:s23] =	dma.local [hbm:s7], s21  }
0xa0: {  	_ =	swait.ge [sflag:s23], s21  }
0xa1: {  	s6 =	ssub.s32 $0x0, s21;
	[sflag:s23] =	ssyncset.done $0x0  }
0xa2: {  	[sflag:s23] =	ssyncadd.s32 s6;
	_ =	sdelay $0x1  }
0xa3: {  	s24 =	simm.s32 $0x1B8B  }
0xa4: {  	_ =	swait.ge [sflag:s24], $0x1  }
0xa5: {  	[sflag:s24] =	ssyncset.done $0x0  }
0xa6: {  	s25 =	simm.s32 $0x1B8E;
	[sflag:s24] =	ssyncadd.s32 $0xFFFFFFFF  }
0xa7: {  	s26 =	simm.s32 $execute0_lowered;
	[smem:$0x3FD2] =	sst s25  }
0xa8: {  	s6 =	sshll.u32 s26, $0x1;
	_ =	strace $0x80000046;
	[dreg:$0x1] =	wrdreg $0xFFFFFFFF  }
0xa9: {  	s28 =	simm.s32 $_size_execute0_lowered;
	s5 =	sadd.s32 s5, s6;
	[dreg:$0x0] =	wrdreg $0x0  }
0xaa: {  	s6 =	sshll.u32 s28, $0x1;
	[dreg:$0x2] =	wrdreg s5  }
0xab: {  	[dreg:$0x3] =	wrdreg s6  }
0xac: {  	[dreg:$0x4] =	wrdreg $0xC0  }
0xad: {  	_ =	task [dreg:s9], $0x5FFFF  }
0xae: {  	[dreg:$0x1] =	wrdreg $0xFFFFFFFF  }
0xaf: {  	[dreg:$0x0] =	wrdreg $0x60  }
0xb0: {  	[dreg:$0x2] =	wrdreg s2  }
0xb1: {  	[dreg:$0x3] =	wrdreg s19  }
0xb2: {  	[dreg:$0x4] =	wrdreg s4  }
0xb3: {  	[dreg:$0x5] =	wrdreg $0x9  }
0xb4: {  	_ =	task.clear_ibuf [dreg:s9], $0x6FFFF;
	_ =	strace $0x90000046  }
0xb5: {  	s29 =	simm.s32 $0x9;
	_ =	strace $0x80000048  }
0xb6: {  	_ =	swait.ge [sflag:s29], $0x1  }
0xb7: {  	[sflag:s29] =	ssyncadd.s32 $0xFFFFFFFF  }
0xb8: {  	_ =	strace $0x90000048  }
0xb9: {  	_ =	sfence  }
0xba: {  	s30 =	sld [smem:$0x0];
	_ =	sdelay $0x2  }
0xbb: {  	s31 =	sshll.u32 s1, $0xD;
	s1 =	sshrl.u32 s1, $0x2  }
0xbc: {  	s3 =	sand.u32 $0x4000, s31;
	s1 =	sadd.s32 s1, s30  }
0xbd: {  	s0 =	sor.u32 s3, s0;
	s1 =	sshll.u32 s1, $0x11  }
0xbe: {  	s0 =	sor.u32 s1, s0  }
0xbf: {  	s0 =	sadd.s32 $0x8F2B, s0  }
0xc0: {  	[sflag:s0] =	ssyncadd.remote.s32 $0x1  }
0xc1: {  	_ =	sfence.sel $0xFFFF  }
0xc2: {  	[dreg:$0x0] =	wrdreg $0xFFFFFFFF;
	(pc) =	sbr.abs _section_cstart, $3  }
0xc3: {  	[dreg:$0x1] =	wrdreg $0xFFFFFFFF  }
0xc4: {  	_ =	task.clear_ibuf [dreg:s9], $0x2FFFF;
	_ =	strace $0x9FFFFFFF  }
0xc5: {  	(tm) =	ssettm $0x7FFFFFFF  }
tec
execute0_lowered:
.L_overlay_start_1:
0x0: {  	(tag) =	ssettag $0x1  }
0x1: {  	s1 =	srdreg.scid;
	s0 =	stileid.u32  }
0x2: {  	s2 =	sand.u32 $0x1, s1;
	s11 =	sshll.u32 s0, $0x1  }
0x3: {  	s1 =	sor.u32 s2, s11  }
0x4: {  	s6 =	smul.u32 $0x68, s1  }
0x5: {  	p0 =	seq.s32 s1, $0x1F  }
0x6: {  	v5 =	vlaneseq.u32;
	s6 =	simm.s32 @p0 $0xC88  }
0x7: {  	v0 =	vadd.s32 s6, v5  }
0x8: {  	v1 =	vcvt.s32.f32 v0;
	_ =	sdelay $0x1  }
0x9: {  	v1 =	vadd.f32 $-1.533000000e+03, v1;
	_ =	sdelay $0x1  }
0xa: {  	v1 =	vmul.f32 $1.435546880e+00, v1  }
0xb: {  	s10 =	sadd.s32 $0x10, s6  }
0xc: {  	s7 =	sadd.s32 $0x30, s6;
	v2 =	vadd.s32 s10, v5;
	v1 =	vadd.f32 $1.533000000e+03, v1  }
0xd: {  	v7 =	vadd.s32 s7, v5;
	v3 =	vcvt.s32.f32 v2  }
0xe: {  	v8 =	vcvt.s32.f32 v7;
	v1 =	vtrunc.f32 v1  }
0xf: {  	v3 =	vadd.f32 $-1.533000000e+03, v3;
	v1 =	vcvt.f32.s32 v1  }
0x10: {  	v8 =	vadd.f32 $-1.533000000e+03, v8  }
0x11: {  	s3 =	rddreg [dreg:$0x1];
	vm1 =	vlt.u32 v0, $0x5FD;
	v3 =	vmul.f32 $1.435546880e+00, v3;
	vm0 =	vlt.s32 v1, $0xDC4  }
0x12: {  	s5 =	rddreg [dreg:$0x2];
	s4 =	simm.s32 $0x0;
	s8 =	sshll.u32 s6, $0x6;
	v8 =	vmul.f32 $1.435546880e+00, v8;
	v4 =	vnsel vm0, $0xDC4, v1;
	v1 =	vadd.s32 $0xD5, v5  }
0x13: {  	[smem:$0x7FF] =	sst s4;
	s9 =	sadd.s32 $0x20, s6;
	s5 =	sadd.s32 s5, s8;
	v3 =	vadd.f32 $1.533000000e+03, v3;
	vm0 =	vlt.u32 v0, $0x7E8;
	v6 =	vadd.s32 s6, v1  }
0x14: {  	s1 =	rddreg [dreg:$0x0];
	s8 =	sadd.s32 $0x33C00, s5;
	v8 =	vadd.f32 $1.533000000e+03, v8;
	v4 =	vsel vm0, v4, v6;
	v6 =	vadd.s32 s9, v5  }
0x15: {  	_ =	strace $0x80000047;
	[dreg:$0x4] =	wrdreg s8;
	s8 =	sadd.s32 $0x40, s6;
	v3 =	vtrunc.f32 v3;
	v0 =	vsel vm1, v0, v4;
	v4 =	vcvt.s32.f32 v6  }
0x16: {  	v9 =	vadd.s32 s8, v5;
	v3 =	vcvt.f32.s32 v3  }
0x17: {  	v11 =	vcvt.s32.f32 v9;
	v8 =	vtrunc.f32 v8;
	v4 =	vadd.f32 $-1.533000000e+03, v4  }
0x18: {  	v8 =	vcvt.f32.s32 v8;
	v10 =	vadd.s32 s10, v1;
	vm0 =	vlt.s32 v3, $0xDC4  }
0x19: {  	s11 =	simm.s32 $0x880;
	v3 =	vnsel vm0, $0xDC4, v3;
	vm0 =	vlt.s32 v2, $0x7E8;
	v4 =	vmul.f32 $1.435546880e+00, v4  }
0x1a: {  	s12 =	simm.s32 $0x1080;
	[dreg:$0x5] =	wrdreg s11;
	vm1 =	vlt.s32 v2, $0x5FD;
	v0 =	vcvt.s32.f32 v0;
	v3 =	vsel vm0, v3, v10  }
0x1b: {  	s13 =	simm.s32 $0x1880;
	[dreg:$0x6] =	wrdreg s12;
	v2 =	vsel vm1, v2, v3;
	v3 =	vadd.f32 $-1.533000000e+03, v11;
	v4 =	vadd.f32 $1.533000000e+03, v4  }
0x1c: {  	s14 =	simm.s32 $0x2080;
	[dreg:$0x7] =	wrdreg s13;
	v0 =	vmul.f32 $1.091796880e+00, v0;
	v2 =	vcvt.s32.f32 v2  }
0x1d: {  	s15 =	simm.s32 $0x2880;
	[dreg:$0x8] =	wrdreg s14;
	v3 =	vmul.f32 $1.435546880e+00, v3;
	v4 =	vtrunc.f32 v4  }
0x1e: {  	s16 =	simm.s32 $0x3080;
	[dreg:$0x9] =	wrdreg s15;
	v10 =	vadd.s32 s9, v1;
	v2 =	vmul.f32 $1.091796880e+00, v2;
	v4 =	vcvt.f32.s32 v4  }
0x1f: {  	s17 =	simm.s32 $0x3880;
	[dreg:$0xa] =	wrdreg s16;
	vm1 =	vlt.s32 v6, $0x5FD;
	v0 =	vtrunc.f32 v0;
	v3 =	vadd.f32 $1.533000000e+03, v3  }
0x20: {  	s18 =	simm.s32 $0x4080;
	[dreg:$0xb] =	wrdreg s17;
	v0 =	vcvt.f32.s32 v0;
	v2 =	vtrunc.f32 v2;
	vm0 =	vlt.s32 v4, $0xDC4  }
0x21: {  	s19 =	simm.s32 $0x4880;
	[dreg:$0xc] =	wrdreg s18;
	v3 =	vtrunc.f32 v3;
	v4 =	vnsel vm0, $0xDC4, v4;
	vm0 =	vlt.s32 v6, $0x7E8  }
0x22: {  	s20 =	simm.s32 $0x5080;
	[dreg:$0xd] =	wrdreg s19;
	v2 =	vcvt.f32.s32 v2;
	v3 =	vcvt.f32.s32 v3;
	v4 =	vsel vm0, v4, v10  }
0x23: {  	s22 =	simm.s32 $0x5880;
	[dreg:$0xe] =	wrdreg s20;
	s21 =	sadd.s32 $0x50, s6;
	vm0 =	vlt.s32 v8, $0xDC4;
	v10 =	vadd.s32 s7, v1;
	v4 =	vsel vm1, v6, v4  }
0x24: {  	s23 =	simm.s32 $0x6080;
	[dreg:$0xf] =	wrdreg s22;
	v6 =	vnsel vm0, $0xDC4, v8;
	vm0 =	vlt.s32 v7, $0x7E8;
	v8 =	vadd.s32 s21, v5  }
0x25: {  	s24 =	simm.s32 $0x6880;
	[dreg:$0x10] =	wrdreg s23;
	s6 =	sadd.s32 $0x60, s6;
	vm1 =	vlt.s32 v7, $0x5FD;
	v4 =	vcvt.s32.f32 v4;
	v11 =	vcvt.s32.f32 v8  }
0x26: {  	s25 =	simm.s32 $0x7080;
	[dreg:$0x11] =	wrdreg s24;
	v6 =	vsel vm0, v6, v10;
	v10 =	vadd.s32 s6, v5;
	vm0 =	vlt.s32 v3, $0xDC4  }
0x27: {  	s26 =	simm.s32 $0x7880;
	[dreg:$0x12] =	wrdreg s25;
	v12 =	vcvt.s32.f32 v10;
	v6 =	vsel vm1, v7, v6;
	v3 =	vnsel vm0, $0xDC4, v3  }
0x28: {  	s0 =	simm.s32 $0x8080;
	[dreg:$0x13] =	wrdreg s26;
	vm0 =	vlt.s32 v9, $0x7E8;
	v7 =	vadd.s32 s8, v1;
	v11 =	vadd.f32 $-1.533000000e+03, v11  }
0x29: {  	[dreg:$0x14] =	wrdreg s0;
	s11 =	simm.s32 $0x9880;
	v3 =	vsel vm0, v3, v7;
	v4 =	vmul.f32 $1.091796880e+00, v4;
	v6 =	vcvt.s32.f32 v6  }
0x2a: {  	s12 =	simm.s32 $0xA080;
	[dreg:$0x17] =	wrdreg s11;
	vm0 =	vlt.s32 v0, $0xF07;
	v12 =	vadd.f32 $-1.533000000e+03, v12;
	v11 =	vmul.f32 $1.435546880e+00, v11  }
0x2b: {  	s13 =	simm.s32 $0xA880;
	[dreg:$0x18] =	wrdreg s12;
	v0 =	vnsel vm0, $0xF07, v0;
	vm0 =	vlt.s32 v9, $0x5FD;
	v6 =	vmul.f32 $1.091796880e+00, v6  }
0x2c: {  	s14 =	simm.s32 $0xB080;
	[dreg:$0x19] =	wrdreg s13;
	v3 =	vsel vm0, v9, v3;
	v7 =	vadd.f32 $1.533000000e+03, v11;
	v11 =	vmul.f32 $1.435546880e+00, v12  }
0x2d: {  	s15 =	simm.s32 $0xB880;
	[dreg:$0x1a] =	wrdreg s14;
	v4 =	vtrunc.f32 v4;
	v3 =	vcvt.s32.f32 v3  }
0x2e: {  	s16 =	simm.s32 $0xC080;
	[dreg:$0x1b] =	wrdreg s15;
	v4 =	vcvt.f32.s32 v4;
	v6 =	vtrunc.f32 v6;
	v11 =	vadd.f32 $1.533000000e+03, v11  }
0x2f: {  	s17 =	simm.s32 $0xC880;
	[dreg:$0x1c] =	wrdreg s16;
	v3 =	vmul.f32 $1.091796880e+00, v3;
	v7 =	vtrunc.f32 v7  }
0x30: {  	s18 =	simm.s32 $0xD880;
	[dreg:$0x1d] =	wrdreg s17;
	v7 =	vcvt.f32.s32 v7;
	v11 =	vtrunc.f32 v11  }
0x31: {  	s19 =	simm.s32 $0xE080;
	[dreg:$0x1e] =	wrdreg s18;
	vm1 =	vlt.s32 v8, $0x7E8;
	v6 =	vcvt.f32.s32 v6;
	v9 =	vcvt.f32.s32 v11  }
0x32: {  	s20 =	simm.s32 $0xE880;
	[dreg:$0x1f] =	wrdreg s19;
	vm0 =	vlt.s32 v7, $0xDC4;
	v11 =	vadd.s32 s21, v1;
	v1 =	vadd.s32 s6, v1  }
0x33: {  	s22 =	simm.s32 $0xF080;
	[smem:$0x7F8] =	sst s20;
	v7 =	vnsel vm0, $0xDC4, v7;
	vm0 =	vlt.s32 v8, $0x5FD;
	vm2 =	vlt.s32 v9, $0xDC4  }
0x34: {  	s23 =	simm.s32 $0xF880;
	[smem:$0x7F9] =	sst s22;
	v7 =	vsel vm1, v7, v11;
	v9 =	vnsel vm2, $0xDC4, v9;
	vm2 =	vlt.s32 v10, $0x7E8  }
0x35: {  	s28 =	simm.s32 $0x19880;
	s24 =	simm.s32 $0x10080;
	[smem:$0x7FA] =	sst s23;
	vm1 =	vlt.s32 v10, $0x5FD;
	v7 =	vsel vm0, v8, v7;
	v1 =	vsel vm2, v9, v1  }
0x36: {  	s29 =	simm.s32 $0x1;
	s25 =	simm.s32 $0x10880;
	[smem:$0x7FB] =	sst s24;
	v3 =	vtrunc.f32 v3;
	v7 =	vcvt.s32.f32 v7;
	v1 =	vsel vm1, v10, v1  }
0x37: {  	s30 =	simm.s32 $0x2;
	s26 =	simm.s32 $0x11080;
	[smem:$0x7FC] =	sst s25;
	vm0 =	vlt.s32 v2, $0xF07;
	v9 =	vcvt.f32.s32 v3;
	v8 =	vcvt.s32.f32 v1  }
0x38: {  	s31 =	simm.s32 $0x3;
	s2 =	ssub.s32 $0x2, s2;
	[smem:$0x7FD] =	sst s26;
	v1 =	vnsel vm0, $0xF07, v2;
	vm0 =	vlt.s32 v4, $0xF07;
	v7 =	vmul.f32 $1.091796880e+00, v7  }
0x39: {  	s12 =	simm.s32 $0x12080;
	s13 =	simm.s32 $0x12880;
	s14 =	simm.s32 $0x13080;
	v2 =	vnsel vm0, $0xF07, v4;
	vm0 =	vlt.s32 v6, $0xF07;
	v8 =	vmul.f32 $1.091796880e+00, v8  }
0x3a: {  	s15 =	simm.s32 $0x13880;
	s16 =	simm.s32 $0x14080;
	s17 =	simm.s32 $0x14880;
	v3 =	vnsel vm0, $0xF07, v6;
	v4 =	vtrunc.f32 v7;
	vm0 =	vlt.s32 v9, $0xF07  }
0x3b: {  	s18 =	simm.s32 $0x15080;
	s19 =	simm.s32 $0x15880;
	s20 =	simm.s32 $0x16080;
	v6 =	vtrunc.f32 v8;
	v8 =	vcvt.f32.s32 v4;
	v4 =	vshll.u32 v0, $0x2  }
0x3c: {  	s22 =	simm.s32 $0x17080;
	s23 =	simm.s32 $0x17880;
	s24 =	simm.s32 $0x18080;
	v10 =	vcvt.f32.s32 v6;
	v6 =	vand.u32 $0x7, v0;
	v4 =	vand.u32 $0xFFFFFFE0, v4  }
0x3d: {  	s25 =	simm.s32 $0x18880;
	s26 =	simm.s32 $0x19080;
	s10 =	simm.s32 $0x9080;
	vm1 =	vlt.s32 v8, $0xF07;
	v7 =	vor.u32 v6, v4;
	v4 =	vand.u32 $0x7, v5  }
0x3e: {  	[dreg:$0x16] =	wrdreg s10;
	s10 =	simm.s32 $0xD080;
	s9 =	simm.s32 $0x80;
	v6 =	vshrl.u32 v5, $0x3;
	v5 =	vor.u32 $0x8, v5;
	vm2 =	vlt.s32 v10, $0xF07  }
0x3f: {  	s7 =	sadd.s32 $0x100, s3;
	s8 =	simm.s32 $0x8880;
	s21 =	sshrl.u32 s2, $0x1;
	v11 =	vperm.xlane v7, v4;
	v6 =	vmul.u32 $0x8, v6;
	v63 =	vperm.xlane v7, v5  }
0x40: {  	[dreg:$0x15] =	wrdreg s8;
	s6 =	sadd.s32 $0x100, s1;
	s2 =	ssub.s32 s2, s21;
	v7 =	vnsel vm0, $0xF07, v9;
	v8 =	vnsel vm1, $0xF07, v8;
	vm0 =	vmmov $0xffff  }
0x41: {  	s21 =	simm.s32 $0x16880;
	s8 =	smax.u32 s2, $0x1;
	s2 =	simm.s32 $0x4;
	v9 =	vnsel vm2, $0xF07, v10;
	v10 =	vadd.s32 v6, v11;
	v11 =	vadd.s32 v6, v63  }
.LBB2_1:
0x42: {  	[tilespmem:$0x0] =	vst v0  }
0x43: {  	[tilespmem:$0x10] =	vst v1  }
0x44: {  	[tilespmem:$0x20] =	vst v2  }
0x45: {  	[tilespmem:$0x30] =	vst v3  }
0x46: {  	[tilespmem:$0x40] =	vst v7  }
0x47: {  	[tilespmem:$0x50] =	vst v8  }
0x48: {  	[tilespmem:$0x60] =	vst v9  }
0x49: {  	[tilespmem:s9], [sflag:$0x1] =	stream.indirect_vreg.gather [hbm4b:s1+s4], $0x80, v10, vm0, $0xb8;
	[tilespmem:$0x1A080] =	vst v63  }
0x4a: {  	s0 =	rddreg [dreg:$0x5]  }
0x4b: {  	[tilespmem:s0], [sflag:$0x1] =	stream.indirect_vreg.gather [hbm4b:s6+s4], $0x80, v10, vm0, $0xb8;
	[tilespmem:$0x1A080] =	vst v63  }
0x4c: {  	s11 =	rddreg [dreg:$0x6]  }
0x4d: {  	[tilespmem:s11], [sflag:$0x1] =	stream.indirect_vreg.gather [hbm4b:s1+s4], $0x80, v11, vm0, $0xb8;
	[tilespmem:$0x1A080] =	vst v63  }
0x4e: {  	s0 =	rddreg [dreg:$0x7]  }
0x4f: {  	[tilespmem:s0], [sflag:$0x1] =	stream.indirect_vreg.gather [hbm4b:s6+s4], $0x80, v11, vm0, $0xb8;
	[tilespmem:$0x1A080] =	vst v63  }
0x50: {  	v12 =	vld [tilespmem:$0x10];
	_ =	sdelay $0x4  }
0x51: {  	v13 =	vshll.u32 v12, $0x2  }
0x52: {  	v12 =	vand.u32 $0x7, v12;
	v13 =	vand.u32 $0xFFFFFFE0, v13  }
0x53: {  	v12 =	vor.u32 v12, v13  }
0x54: {  	v13 =	vperm.xlane v12, v4;
	_ =	sdelay $0x1  }
0x55: {  	v13 =	vadd.s32 v6, v13;
	_ =	sdelay $0x1  }
0x56: {  	v12 =	vperm.xlane v12, v5;
	_ =	sdelay $0x1  }
0x57: {  	s0 =	rddreg [dreg:$0x8];
	v12 =	vadd.s32 v6, v12  }
0x58: {  	[tilespmem:s0], [sflag:$0x1] =	stream.indirect_vreg.gather [hbm4b:s1+s4], $0x80, v13, vm0, $0xb8;
	[tilespmem:$0x1A080] =	vst v63  }
0x59: {  	s11 =	rddreg [dreg:$0x9]  }
0x5a: {  	[tilespmem:s11], [sflag:$0x1] =	stream.indirect_vreg.gather [hbm4b:s6+s4], $0x80, v13, vm0, $0xb8;
	[tilespmem:$0x1A080] =	vst v63  }
0x5b: {  	s0 =	rddreg [dreg:$0xa]  }
0x5c: {  	[tilespmem:s0], [sflag:$0x1] =	stream.indirect_vreg.gather [hbm4b:s1+s4], $0x80, v12, vm0, $0xb8;
	[tilespmem:$0x1A080] =	vst v63  }
0x5d: {  	s11 =	rddreg [dreg:$0xb]  }
0x5e: {  	[tilespmem:s11], [sflag:$0x1] =	stream.indirect_vreg.gather [hbm4b:s6+s4], $0x80, v12, vm0, $0xb8;
	[tilespmem:$0x1A080] =	vst v63  }
0x5f: {  	v12 =	vld [tilespmem:$0x20];
	_ =	sdelay $0x4  }
0x60: {  	v52 =	vshll.u32 v12, $0x2  }
0x61: {  	v12 =	vand.u32 $0x7, v12;
	v13 =	vand.u32 $0xFFFFFFE0, v52  }
0x62: {  	v12 =	vor.u32 v12, v13  }
0x63: {  	v13 =	vperm.xlane v12, v4;
	_ =	sdelay $0x1  }
0x64: {  	v13 =	vadd.s32 v6, v13;
	_ =	sdelay $0x1  }
0x65: {  	v12 =	vperm.xlane v12, v5;
	_ =	sdelay $0x1  }
0x66: {  	s0 =	rddreg [dreg:$0xc];
	v12 =	vadd.s32 v6, v12  }
0x67: {  	[tilespmem:s0], [sflag:$0x1] =	stream.indirect_vreg.gather [hbm4b:s1+s4], $0x80, v13, vm0, $0xb8;
	[tilespmem:$0x1A080] =	vst v63  }
0x68: {  	s11 =	rddreg [dreg:$0xd]  }
0x69: {  	[tilespmem:s11], [sflag:$0x1] =	stream.indirect_vreg.gather [hbm4b:s6+s4], $0x80, v13, vm0, $0xb8;
	[tilespmem:$0x1A080] =	vst v63  }
0x6a: {  	s0 =	rddreg [dreg:$0xe]  }
0x6b: {  	[tilespmem:s0], [sflag:$0x1] =	stream.indirect_vreg.gather [hbm4b:s1+s4], $0x80, v12, vm0, $0xb8;
	[tilespmem:$0x1A080] =	vst v63  }
0x6c: {  	s11 =	rddreg [dreg:$0xf]  }
0x6d: {  	[tilespmem:s11], [sflag:$0x1] =	stream.indirect_vreg.gather [hbm4b:s6+s4], $0x80, v12, vm0, $0xb8;
	[tilespmem:$0x1A080] =	vst v63  }
0x6e: {  	v12 =	vld [tilespmem:$0x30];
	_ =	sdelay $0x4  }
0x6f: {  	v53 =	vshll.u32 v12, $0x2  }
0x70: {  	v12 =	vand.u32 $0x7, v12;
	v13 =	vand.u32 $0xFFFFFFE0, v53  }
0x71: {  	v12 =	vor.u32 v12, v13  }
0x72: {  	v13 =	vperm.xlane v12, v4;
	_ =	sdelay $0x1  }
0x73: {  	v13 =	vadd.s32 v6, v13;
	_ =	sdelay $0x1  }
0x74: {  	v12 =	vperm.xlane v12, v5;
	_ =	sdelay $0x1  }
0x75: {  	s0 =	rddreg [dreg:$0x10];
	v12 =	vadd.s32 v6, v12  }
0x76: {  	[tilespmem:s0], [sflag:$0x1] =	stream.indirect_vreg.gather [hbm4b:s1+s4], $0x80, v13, vm0, $0xb8;
	[tilespmem:$0x1A080] =	vst v63  }
0x77: {  	s11 =	rddreg [dreg:$0x11]  }
0x78: {  	[tilespmem:s11], [sflag:$0x1] =	stream.indirect_vreg.gather [hbm4b:s6+s4], $0x80, v13, vm0, $0xb8;
	[tilespmem:$0x1A080] =	vst v63  }
0x79: {  	s0 =	rddreg [dreg:$0x12]  }
0x7a: {  	[tilespmem:s0], [sflag:$0x1] =	stream.indirect_vreg.gather [hbm4b:s1+s4], $0x80, v12, vm0, $0xb8;
	[tilespmem:$0x1A080] =	vst v63  }
0x7b: {  	s11 =	rddreg [dreg:$0x13]  }
0x7c: {  	[tilespmem:s11], [sflag:$0x1] =	stream.indirect_vreg.gather [hbm4b:s6+s4], $0x80, v12, vm0, $0xb8;
	[tilespmem:$0x1A080] =	vst v63  }
0x7d: {  	v12 =	vld [tilespmem:$0x40];
	_ =	sdelay $0x4  }
0x7e: {  	v54 =	vshll.u32 v12, $0x2  }
0x7f: {  	v12 =	vand.u32 $0x7, v12;
	v13 =	vand.u32 $0xFFFFFFE0, v54  }
0x80: {  	v12 =	vor.u32 v12, v13  }
0x81: {  	v13 =	vperm.xlane v12, v4;
	_ =	sdelay $0x1  }
0x82: {  	v13 =	vadd.s32 v6, v13;
	_ =	sdelay $0x1  }
0x83: {  	v12 =	vperm.xlane v12, v5;
	_ =	sdelay $0x1  }
0x84: {  	s0 =	rddreg [dreg:$0x14];
	v12 =	vadd.s32 v6, v12  }
0x85: {  	[tilespmem:s0], [sflag:$0x1] =	stream.indirect_vreg.gather [hbm4b:s1+s4], $0x80, v13, vm0, $0xb8;
	[tilespmem:$0x1A080] =	vst v63  }
0x86: {  	s11 =	rddreg [dreg:$0x15]  }
0x87: {  	[tilespmem:s11], [sflag:$0x1] =	stream.indirect_vreg.gather [hbm4b:s6+s4], $0x80, v13, vm0, $0xb8;
	[tilespmem:$0x1A080] =	vst v63  }
0x88: {  	s0 =	rddreg [dreg:$0x16]  }
0x89: {  	[tilespmem:s0], [sflag:$0x1] =	stream.indirect_vreg.gather [hbm4b:s1+s4], $0x80, v12, vm0, $0xb8;
	[tilespmem:$0x1A080] =	vst v63  }
0x8a: {  	s11 =	rddreg [dreg:$0x17]  }
0x8b: {  	[tilespmem:s11], [sflag:$0x1] =	stream.indirect_vreg.gather [hbm4b:s6+s4], $0x80, v12, vm0, $0xb8;
	[tilespmem:$0x1A080] =	vst v63  }
0x8c: {  	v12 =	vld [tilespmem:$0x50];
	_ =	sdelay $0x4  }
0x8d: {  	v55 =	vshll.u32 v12, $0x2  }
0x8e: {  	v12 =	vand.u32 $0x7, v12;
	v13 =	vand.u32 $0xFFFFFFE0, v55  }
0x8f: {  	v12 =	vor.u32 v12, v13  }
0x90: {  	v13 =	vperm.xlane v12, v4;
	_ =	sdelay $0x1  }
0x91: {  	v13 =	vadd.s32 v6, v13;
	_ =	sdelay $0x1  }
0x92: {  	v12 =	vperm.xlane v12, v5;
	_ =	sdelay $0x1  }
0x93: {  	s0 =	rddreg [dreg:$0x18];
	v12 =	vadd.s32 v6, v12  }
0x94: {  	[tilespmem:s0], [sflag:$0x1] =	stream.indirect_vreg.gather [hbm4b:s1+s4], $0x80, v13, vm0, $0xb8;
	[tilespmem:$0x1A080] =	vst v63  }
0x95: {  	s11 =	rddreg [dreg:$0x19]  }
0x96: {  	[tilespmem:s11], [sflag:$0x1] =	stream.indirect_vreg.gather [hbm4b:s6+s4], $0x80, v13, vm0, $0xb8;
	[tilespmem:$0x1A080] =	vst v63  }
0x97: {  	s0 =	rddreg [dreg:$0x1a]  }
0x98: {  	[tilespmem:s0], [sflag:$0x1] =	stream.indirect_vreg.gather [hbm4b:s1+s4], $0x80, v12, vm0, $0xb8;
	[tilespmem:$0x1A080] =	vst v63  }
0x99: {  	s11 =	rddreg [dreg:$0x1b]  }
0x9a: {  	[tilespmem:s11], [sflag:$0x1] =	stream.indirect_vreg.gather [hbm4b:s6+s4], $0x80, v12, vm0, $0xb8;
	[tilespmem:$0x1A080] =	vst v63  }
0x9b: {  	v12 =	vld.msk [tilespmem:$0x60], $0xff;
	_ =	sdelay $0x4  }
0x9c: {  	v56 =	vshll.u32 v12, $0x2  }
0x9d: {  	v12 =	vand.u32 $0x7, v12;
	v13 =	vand.u32 $0xFFFFFFE0, v56  }
0x9e: {  	v12 =	vor.u32 v12, v13  }
0x9f: {  	v12 =	vperm.xlane v12, v4;
	_ =	sdelay $0x1  }
0xa0: {  	v12 =	vadd.s32 v6, v12;
	_ =	sdelay $0x3  }
0xa1: {  	s0 =	rddreg [dreg:$0x1c]  }
0xa2: {  	[tilespmem:s0], [sflag:$0x1] =	stream.indirect_vreg.gather [hbm4b:s1+s4], $0x80, v12, vm0, $0xb8;
	[tilespmem:$0x1A080] =	vst v63  }
0xa3: {  	s11 =	rddreg [dreg:$0x1d]  }
0xa4: {  	[tilespmem:s11], [sflag:$0x1] =	stream.indirect_vreg.gather [hbm4b:s6+s4], $0x80, v12, vm0, $0xb8;
	[tilespmem:$0x1A080] =	vst v63  }
0xa5: {  	v12 =	vld [tilespmem:$0x0];
	_ =	sdelay $0x4  }
0xa6: {  	v57 =	vshll.u32 v12, $0x2  }
0xa7: {  	v12 =	vand.u32 $0x7, v12;
	v13 =	vand.u32 $0xFFFFFFE0, v57  }
0xa8: {  	v12 =	vor.u32 v12, v13  }
0xa9: {  	v13 =	vperm.xlane v12, v4;
	_ =	sdelay $0x1  }
0xaa: {  	v13 =	vadd.s32 v6, v13;
	_ =	sdelay $0x1  }
0xab: {  	v12 =	vperm.xlane v12, v5;
	_ =	sdelay $0x1  }
0xac: {  	s0 =	rddreg [dreg:$0x1e];
	v12 =	vadd.s32 v6, v12  }
0xad: {  	[tilespmem:s10], [sflag:$0x2] =	stream.indirect_vreg.gather [hbm4b:s3+s4], $0x80, v13, vm0, $0xb8;
	[tilespmem:$0x1A080] =	vst v63  }
0xae: {  	s11 =	rddreg [dreg:$0x1f]  }
0xaf: {  	[tilespmem:s0], [sflag:$0x2] =	stream.indirect_vreg.gather [hbm4b:s7+s4], $0x80, v13, vm0, $0xb8;
	[tilespmem:$0x1A080] =	vst v63  }
0xb0: {  	s0 =	sld [smem:$0x7F8]  }
0xb1: {  	[tilespmem:s11], [sflag:$0x2] =	stream.indirect_vreg.gather [hbm4b:s3+s4], $0x80, v12, vm0, $0xb8;
	[tilespmem:$0x1A080] =	vst v63  }
0xb2: {  	_ = 	snop  }
0xb3: {  	[tilespmem:s0], [sflag:$0x2] =	stream.indirect_vreg.gather [hbm4b:s7+s4], $0x80, v12, vm0, $0xb8;
	[tilespmem:$0x1A080] =	vst v63  }
0xb4: {  	v12 =	vld [tilespmem:$0x10];
	_ =	sdelay $0x4  }
0xb5: {  	v58 =	vshll.u32 v12, $0x2  }
0xb6: {  	v12 =	vand.u32 $0x7, v12;
	v13 =	vand.u32 $0xFFFFFFE0, v58  }
0xb7: {  	v12 =	vor.u32 v12, v13  }
0xb8: {  	v13 =	vperm.xlane v12, v4;
	_ =	sdelay $0x1  }
0xb9: {  	v13 =	vadd.s32 v6, v13;
	_ =	sdelay $0x1  }
0xba: {  	s0 =	sld [smem:$0x7F9];
	v12 =	vperm.xlane v12, v5;
	_ =	sdelay $0x1  }
0xbb: {  	s11 =	sld [smem:$0x7FA];
	v12 =	vadd.s32 v6, v12  }
0xbc: {  	[tilespmem:s0], [sflag:$0x2] =	stream.indirect_vreg.gather [hbm4b:s3+s4], $0x80, v13, vm0, $0xb8;
	[tilespmem:$0x1A080] =	vst v63  }
0xbd: {  	s0 =	sld [smem:$0x7FB]  }
0xbe: {  	[tilespmem:s11], [sflag:$0x2] =	stream.indirect_vreg.gather [hbm4b:s7+s4], $0x80, v13, vm0, $0xb8;
	[tilespmem:$0x1A080] =	vst v63  }
0xbf: {  	s11 =	sld [smem:$0x7FC]  }
0xc0: {  	[tilespmem:s0], [sflag:$0x2] =	stream.indirect_vreg.gather [hbm4b:s3+s4], $0x80, v12, vm0, $0xb8;
	[tilespmem:$0x1A080] =	vst v63  }
0xc1: {  	_ = 	snop  }
0xc2: {  	[tilespmem:s11], [sflag:$0x2] =	stream.indirect_vreg.gather [hbm4b:s7+s4], $0x80, v12, vm0, $0xb8;
	[tilespmem:$0x1A080] =	vst v63  }
0xc3: {  	v12 =	vld [tilespmem:$0x20];
	_ =	sdelay $0x4  }
0xc4: {  	v59 =	vshll.u32 v12, $0x2  }
0xc5: {  	v12 =	vand.u32 $0x7, v12;
	v13 =	vand.u32 $0xFFFFFFE0, v59  }
0xc6: {  	v12 =	vor.u32 v12, v13  }
0xc7: {  	v13 =	vperm.xlane v12, v4;
	_ =	sdelay $0x1  }
0xc8: {  	v13 =	vadd.s32 v6, v13;
	_ =	sdelay $0x1  }
0xc9: {  	s11 =	sld [smem:$0x7FD];
	v12 =	vperm.xlane v12, v5;
	_ =	sdelay $0x1  }
0xca: {  	v12 =	vadd.s32 v6, v12  }
0xcb: {  	[tilespmem:s11], [sflag:$0x2] =	stream.indirect_vreg.gather [hbm4b:s3+s4], $0x80, v13, vm0, $0xb8;
	[tilespmem:$0x1A080] =	vst v63  }
0xcc: {  	s11 =	simm.s32 $0x11880  }
0xcd: {  	[tilespmem:s11], [sflag:$0x2] =	stream.indirect_vreg.gather [hbm4b:s7+s4], $0x80, v13, vm0, $0xb8;
	[tilespmem:$0x1A080] =	vst v63  }
0xce: {  	_ = 	snop  }
0xcf: {  	[tilespmem:s12], [sflag:$0x2] =	stream.indirect_vreg.gather [hbm4b:s3+s4], $0x80, v12, vm0, $0xb8;
	[tilespmem:$0x1A080] =	vst v63  }
0xd0: {  	_ = 	snop  }
0xd1: {  	[tilespmem:s13], [sflag:$0x2] =	stream.indirect_vreg.gather [hbm4b:s7+s4], $0x80, v12, vm0, $0xb8;
	[tilespmem:$0x1A080] =	vst v63  }
0xd2: {  	v12 =	vld [tilespmem:$0x30];
	_ =	sdelay $0x4  }
0xd3: {  	v60 =	vshll.u32 v12, $0x2  }
0xd4: {  	v12 =	vand.u32 $0x7, v12;
	v13 =	vand.u32 $0xFFFFFFE0, v60  }
0xd5: {  	v12 =	vor.u32 v12, v13  }
0xd6: {  	v13 =	vperm.xlane v12, v4;
	_ =	sdelay $0x1  }
0xd7: {  	v13 =	vadd.s32 v6, v13;
	_ =	sdelay $0x1  }
0xd8: {  	v12 =	vperm.xlane v12, v5;
	_ =	sdelay $0x1  }
0xd9: {  	v12 =	vadd.s32 v6, v12  }
0xda: {  	[tilespmem:s14], [sflag:$0x2] =	stream.indirect_vreg.gather [hbm4b:s3+s4], $0x80, v13, vm0, $0xb8;
	[tilespmem:$0x1A080] =	vst v63  }
0xdb: {  	_ = 	snop  }
0xdc: {  	[tilespmem:s15], [sflag:$0x2] =	stream.indirect_vreg.gather [hbm4b:s7+s4], $0x80, v13, vm0, $0xb8;
	[tilespmem:$0x1A080] =	vst v63  }
0xdd: {  	_ = 	snop  }
0xde: {  	[tilespmem:s16], [sflag:$0x2] =	stream.indirect_vreg.gather [hbm4b:s3+s4], $0x80, v12, vm0, $0xb8;
	[tilespmem:$0x1A080] =	vst v63  }
0xdf: {  	_ = 	snop  }
0xe0: {  	[tilespmem:s17], [sflag:$0x2] =	stream.indirect_vreg.gather [hbm4b:s7+s4], $0x80, v12, vm0, $0xb8;
	[tilespmem:$0x1A080] =	vst v63  }
0xe1: {  	v12 =	vld [tilespmem:$0x40];
	_ =	sdelay $0x4  }
0xe2: {  	v61 =	vshll.u32 v12, $0x2  }
0xe3: {  	v12 =	vand.u32 $0x7, v12;
	v13 =	vand.u32 $0xFFFFFFE0, v61  }
0xe4: {  	v12 =	vor.u32 v12, v13  }
0xe5: {  	v13 =	vperm.xlane v12, v4;
	_ =	sdelay $0x1  }
0xe6: {  	v13 =	vadd.s32 v6, v13;
	_ =	sdelay $0x1  }
0xe7: {  	v12 =	vperm.xlane v12, v5;
	_ =	sdelay $0x1  }
0xe8: {  	v12 =	vadd.s32 v6, v12  }
0xe9: {  	[tilespmem:s18], [sflag:$0x2] =	stream.indirect_vreg.gather [hbm4b:s3+s4], $0x80, v13, vm0, $0xb8;
	[tilespmem:$0x1A080] =	vst v63  }
0xea: {  	_ = 	snop  }
0xeb: {  	[tilespmem:s19], [sflag:$0x2] =	stream.indirect_vreg.gather [hbm4b:s7+s4], $0x80, v13, vm0, $0xb8;
	[tilespmem:$0x1A080] =	vst v63  }
0xec: {  	_ = 	snop  }
0xed: {  	[tilespmem:s20], [sflag:$0x2] =	stream.indirect_vreg.gather [hbm4b:s3+s4], $0x80, v12, vm0, $0xb8;
	[tilespmem:$0x1A080] =	vst v63  }
0xee: {  	_ = 	snop  }
0xef: {  	[tilespmem:s21], [sflag:$0x2] =	stream.indirect_vreg.gather [hbm4b:s7+s4], $0x80, v12, vm0, $0xb8;
	[tilespmem:$0x1A080] =	vst v63  }
0xf0: {  	v12 =	vld [tilespmem:$0x50];
	_ =	sdelay $0x4  }
0xf1: {  	v62 =	vshll.u32 v12, $0x2  }
0xf2: {  	v12 =	vand.u32 $0x7, v12;
	v13 =	vand.u32 $0xFFFFFFE0, v62  }
0xf3: {  	v12 =	vor.u32 v12, v13  }
0xf4: {  	v13 =	vperm.xlane v12, v4;
	_ =	sdelay $0x1  }
0xf5: {  	v13 =	vadd.s32 v6, v13;
	_ =	sdelay $0x1  }
0xf6: {  	v12 =	vperm.xlane v12, v5;
	_ =	sdelay $0x1  }
0xf7: {  	v12 =	vadd.s32 v6, v12  }
0xf8: {  	[tilespmem:s22], [sflag:$0x2] =	stream.indirect_vreg.gather [hbm4b:s3+s4], $0x80, v13, vm0, $0xb8;
	[tilespmem:$0x1A080] =	vst v63  }
0xf9: {  	_ = 	snop  }
0xfa: {  	[tilespmem:s23], [sflag:$0x2] =	stream.indirect_vreg.gather [hbm4b:s7+s4], $0x80, v13, vm0, $0xb8;
	[tilespmem:$0x1A080] =	vst v63  }
0xfb: {  	_ = 	snop  }
0xfc: {  	[tilespmem:s24], [sflag:$0x2] =	stream.indirect_vreg.gather [hbm4b:s3+s4], $0x80, v12, vm0, $0xb8;
	[tilespmem:$0x1A080] =	vst v63  }
0xfd: {  	_ = 	snop  }
0xfe: {  	[tilespmem:s25], [sflag:$0x2] =	stream.indirect_vreg.gather [hbm4b:s7+s4], $0x80, v12, vm0, $0xb8;
	[tilespmem:$0x1A080] =	vst v63  }
0xff: {  	v12 =	vld.msk [tilespmem:$0x60], $0xff;
	_ =	sdelay $0x4  }
0x100: {  	v63 =	vshll.u32 v12, $0x2  }
0x101: {  	v12 =	vand.u32 $0x7, v12;
	v13 =	vand.u32 $0xFFFFFFE0, v63  }
0x102: {  	v12 =	vor.u32 v12, v13  }
0x103: {  	v12 =	vperm.xlane v12, v4;
	_ =	sdelay $0x1  }
0x104: {  	v12 =	vadd.s32 v6, v12;
	_ =	sdelay $0x4  }
0x105: {  	[tilespmem:s26], [sflag:$0x2] =	stream.indirect_vreg.gather [hbm4b:s3+s4], $0x80, v12, vm0, $0xb8;
	[tilespmem:$0x1A080] =	vst v63  }
0x106: {  	_ = 	snop  }
0x107: {  	[tilespmem:s28], [sflag:$0x2] =	stream.indirect_vreg.gather [hbm4b:s7+s4], $0x80, v12, vm0, $0xb8;
	[tilespmem:$0x1A080] =	vst v63  }
0x108: {  	_ =	swait.ge [sflag:s29], $0xD000  }
0x109: {  	[sflag:s29] =	ssyncset.done $0x0  }
0x10a: {  	[sflag:s29] =	ssyncadd.s32 $0xFFFF3000  }
0x10b: {  	[hbm4b:s5+s4] =	stream.linear.scatter [tilespmem:s9], [sflag:$0x3], $0xD000, $0x38;
	[tilespmem:$0x1A080] =	vst v63  }
0x10c: {  	_ =	swait.ge [sflag:s30], $0xD000  }
0x10d: {  	[sflag:s30] =	ssyncset.done $0x0  }
0x10e: {  	s11 =	rddreg [dreg:$0x4];
	[sflag:s30] =	ssyncadd.s32 $0xFFFF3000  }
0x10f: {  	[hbm4b:s11+s4] =	stream.linear.scatter [tilespmem:s10], [sflag:$0x4], $0xD000, $0x38;
	[tilespmem:$0x1A080] =	vst v63  }
0x110: {  	p0 =	sne.s32 s8, $0x1;
	_ =	swait.ge [sflag:s31], $0xD000  }
.Ltmp0:
0x111: {  	[sflag:s31] =	ssyncset.done $0x0;
	(pc) =	sbr.rel @p0 .LBB2_1-.Ltmp0, $4  }
0x112: {  	[sflag:s31] =	ssyncadd.s32 $0xFFFF3000  }
0x113: {  	_ =	swait.ge [sflag:s2], $0xD000  }
0x114: {  	[sflag:s2] =	ssyncset.done $0x0  }
0x115: {  	s8 =	sadd.s32 $0xFFFFFFFF, s8;
	[sflag:s2] =	ssyncadd.s32 $0xFFFF3000  }
0x116: {  	_ =	sfence.sel $0x180000  }
0x117: {  	[bflag:$0x0] =	sbarrier.arrive $0xFFFF  }
0x118: {  	_ =	strace $0x90000047  }
0x119: {  	s0 =	stileid.u32;
	[bflag:$0x2] =	sbarrier.arrive $0xFFFF  }
0x11a: {  	p0 =	sne.s32 s0, $0x0;
	s0 =	rddreg [dreg:$0x3]  }
0x11b: {  	s0 =	sadd.s32 @!p0 $0x100000, s0  }
0x11c: {  	[sflag:s0] =	ssyncadd.tile.s32 @!p0 $0x1;
	_ =	shalt  }
.Lfunc_end2:
_tile_overlayer_lowered:
.L_overlay_start_2:
0x11d: {  	(tag) =	ssettag $0x2  }
0x11e: {  	s0 =	rddreg [dreg:$0x0];
	s2 =	stileid.u32  }
0x11f: {  	s1 =	rddreg [dreg:$0x1];
	p0 =	sne.s32 s2, $0x0  }
0x120: {  	s3 =	rddreg [dreg:$0x2];
	[bflag:$0x3] =	sbarrier.arrive $0xFFFF;
	s2 =	simm.s32 @!p0 $0x1C05  }
0x121: {  	[timem:s3], [sflag:s2] =	dma.local @!p0 [hbm:s0], s1  }
0x122: {  	s0 =	simm.s32 @!p0 $0x5  }
0x123: {  	_ =	swait.ge @!p0 [sflag:s0], s1  }
0x124: {  	s1 =	ssub.s32 @!p0 $0x0, s1;
	[sflag:s0] =	ssyncset.done @!p0 $0x0  }
0x125: {  	[sflag:s0] =	ssyncadd.s32 @!p0 s1  }
0x126: {  	[bflag:$0x3] =	sbarrier.arrive $0xFFFF  }
0x127: {  	_ =	shalt  }

</sc_bundles>
